<compile_context>
chip_gen: v7x
topology: tpu7x:2x2x1
jax: 0.10.2.dev20260603
libtpu: 0.0.44.dev20260713+nightly
codegen_flags: <defaults>
</compile_context>

<pallas_src>
import functools

import jax
import jax.numpy as jnp
import numpy as np
from jax import lax
from jax.experimental import pallas as pl
from jax.experimental.pallas import tpu as pltpu
from jax.experimental.pallas import tpu_sc as plsc

_B = 64
_S = 8192
_D = 128
_NS = 4
_SEED = 42

_NC = 2
_NSUB = 16
_NW = _NC * _NSUB
_BPW = _B // _NW


def _tf2x32(k1, k2, x0, x1):
    rot1 = (13, 15, 26, 6)
    rot2 = (17, 29, 16, 24)
    ks = [
        np.uint32(k1),
        np.uint32(k2),
        np.uint32(k1) ^ np.uint32(k2) ^ np.uint32(0x1BD11BDA),
    ]
    x = [x0.astype(np.uint32) + ks[0], x1.astype(np.uint32) + ks[1]]

    def rounds(x, rots):
        for r in rots:
            a = x[0] + x[1]
            b = (x[1] << np.uint32(r)) | (x[1] >> np.uint32(32 - r))
            x = [a, a ^ b]
        return x

    x = rounds(x, rot1)
    x = [x[0] + ks[1], x[1] + ks[2] + np.uint32(1)]
    x = rounds(x, rot2)
    x = [x[0] + ks[2], x[1] + ks[0] + np.uint32(2)]
    x = rounds(x, rot1)
    x = [x[0] + ks[0], x[1] + ks[1] + np.uint32(3)]
    x = rounds(x, rot2)
    x = [x[0] + ks[1], x[1] + ks[2] + np.uint32(4)]
    x = rounds(x, rot1)
    x = [x[0] + ks[2], x[1] + ks[0] + np.uint32(5)]
    return x


def _counter_words(n):
    c = np.arange(n, dtype=np.uint64)
    return (c >> np.uint64(32)).astype(np.uint32), (c & np.uint64(0xFFFFFFFF)).astype(
        np.uint32
    )


def _np_split(key, num):
    hi, lo = _counter_words(num)
    b1, b2 = _tf2x32(key[0], key[1], hi, lo)
    return np.stack([b1, b2], axis=1)


def _uniform_draws() -> np.ndarray:
    root = np.array([0, _SEED], dtype=np.uint32)
    sub = _np_split(root, 2)[1]
    keys = _np_split(sub, _B)
    hi, lo = _counter_words(_NS * _S)
    out = np.empty((_B, _NS, _S), dtype=np.float32)
    tiny = np.float32(np.finfo(np.float32).tiny)
    span = np.float32(np.float32(1.0) - tiny)
    for b in range(_B):
        b1, b2 = _tf2x32(keys[b, 0], keys[b, 1], hi, lo)
        bits = b1 ^ b2
        float_bits = (bits >> np.uint32(9)) | np.uint32(0x3F800000)
        floats = float_bits.view(np.float32) - np.float32(1.0)
        u = np.maximum(tiny, (floats * span + tiny).astype(np.float32))
        out[b] = u.reshape(_NS, _S)
    return out


_U = _uniform_draws()


def _sample_body(q_ref, k_ref, u_ref, out_ref):
    b = pl.program_id(0)
    scores = lax.dot_general(
        q_ref[0], k_ref[0], (((1,), (1,)), ((), ())), precision=lax.Precision.DEFAULT
    )
    logits = scores / np.float32(np.sqrt(_D))
    x = -jnp.log(-jnp.log(u_ref[0])) + logits
    m = jnp.max(x, axis=1, keepdims=True)
    iota = lax.broadcasted_iota(jnp.int32, (_NS, _S), 1)
    cand = jnp.where(x == m, iota, _S)
    idx = jnp.min(cand, axis=1)
    out_ref[0, 0, :] = b * _S + idx


def _sample_flat_ids(q2d, key, u):
    return pl.pallas_call(
        _sample_body,
        grid=(_B,),
        in_specs=[
            pl.BlockSpec((1, 1, _D), lambda b: (b, 0, 0)),
            pl.BlockSpec((1, _S, _D), lambda b: (b, 0, 0)),
            pl.BlockSpec((1, _NS, _S), lambda b: (b, 0, 0)),
        ],
        out_specs=pl.BlockSpec((1, 1, _NS), lambda b: (b, 0, 0)),
        out_shape=jax.ShapeDtypeStruct((_B, 1, _NS), jnp.int32),
        compiler_params=pltpu.CompilerParams(
            dimension_semantics=("arbitrary",),
        ),
    )(q2d.reshape(_B, 1, _D), key, u)


def _sc_gather_mean_body(idx_hbm, table_hbm, out_hbm, idx_v, rows_v, out_v, sem):
    wid = lax.axis_index("s") * _NC + lax.axis_index("c")
    pltpu.sync_copy(idx_hbm.at[pl.ds(wid * _BPW, _BPW)], idx_v)
    cps = [
        pltpu.async_copy(table_hbm.at[idx_v.at[ob, 0]], rows_v.at[ob], sem)
        for ob in range(_BPW)
    ]
    for cp in cps:
        cp.wait()
    for ob in range(_BPW):
        for c in range(_D // 16):
            sl = pl.ds(c * 16, 16)
            acc = (rows_v[ob, 0, sl] + rows_v[ob, 1, sl]) + (
                rows_v[ob, 2, sl] + rows_v[ob, 3, sl]
            )
            out_v[ob, sl] = acc * np.float32(1.0 / _NS)
    pltpu.sync_copy(out_v, out_hbm.at[wid])


_SC_KERNEL_CACHE = None


def _sc_gather_mean(ids3d, table):
    global _SC_KERNEL_CACHE
    if _SC_KERNEL_CACHE is None:
        _SC_KERNEL_CACHE = functools.partial(
            pl.kernel,
            out_type=jax.ShapeDtypeStruct((_NW, _BPW, _D), jnp.float32),
            mesh=plsc.VectorSubcoreMesh(core_axis_name="c", subcore_axis_name="s"),
            scratch_types=[
                pltpu.VMEM((_BPW, 1, _NS), jnp.int32),
                pltpu.VMEM((_BPW, _NS, _D), jnp.float32),
                pltpu.VMEM((_BPW, _D), jnp.float32),
                pltpu.SemaphoreType.DMA,
            ],
        )(_sc_gather_mean_body)
    return _SC_KERNEL_CACHE(ids3d, table)


def kernel(query, key, value):
    u = jnp.asarray(_U)
    q2d = query[:, 0, :]
    ids3d = _sample_flat_ids(q2d, key, u)
    table = value.reshape(_B * _S, _D)
    ctx = _sc_gather_mean(ids3d, table)
    return ctx.reshape(_B, 1, _D)

# --- scband reference (transcript-rebuilt; emitter-appended) ---
"""Pipeline reference for scband-thermal-attention-3685081940570 (READ-ONLY COPY).

The authoritative reference and input builder live on the scoring server;
editing this copy changes nothing except your own understanding.
"""

import jax, jax.numpy as jnp
import numpy as np

B = 64
S = 8192
D = 128
N_SAMPLES = 4
TEMPERATURE = 1.0
SEED = 42


def setup_inputs(seed: int = 0) -> dict:
    key = jax.random.key(seed)
    kq, kk, kv = jax.random.split(key, 3)
    query = jax.random.normal(kq, (B, 1, D), dtype=jnp.float32)
    k = jax.random.normal(kk, (B, S, D), dtype=jnp.float32)
    v = jax.random.normal(kv, (B, S, D), dtype=jnp.float32)
    return {"query": query, "key": k, "value": v}


def reference(query, key, value):
    d = query.shape[-1]
    batch_size = query.shape[0]
    # scaled dot-product scores: (B, 1, S)
    scores = jnp.matmul(query, jnp.swapaxes(key, -2, -1)) / np.sqrt(d)
    logits = scores[:, 0, :] / TEMPERATURE  # (B, S)
    # ThermalContext: deterministic PRNG stream seeded at 42, split per batch item.
    root = jax.random.PRNGKey(SEED)
    _, subkey = jax.random.split(root)
    keys = jax.random.split(subkey, batch_size)
    # Gibbs sampler at stationarity over a single categorical block ==
    # i.i.d. categorical draws from softmax(logits).
    def _sample_one(k, l):
        return jax.random.categorical(k, l, shape=(N_SAMPLES,))
    indices = jax.vmap(_sample_one)(keys, logits)  # (B, n_samples) int
    # gather sampled value rows: (B, n_samples, D)
    selected = jnp.take_along_axis(value, indices[:, :, None], axis=1)
    context = selected.mean(axis=1)  # (B, D)
    return context[:, None, :]  # (B, 1, D)

if __name__ == "__main__":
    import jax
    _d = setup_inputs()
    print(jax.jit(kernel)(*tuple(_d.values())))

</pallas_src>

<mosaic_0001>
#map = affine_map<(d0, d1) -> (0, 0, 0)>
#map1 = affine_map<(d0, d1) -> (0, 0)>
module attributes {stable_mosaic.version = 14 : i64} {
  func.func @_sc_gather_mean_body(%arg0: i32, %arg1: i32, %arg2: memref<64x1x4xi32, #tpu.memory_space<hbm>>, %arg3: memref<524288x128xf32, #tpu.memory_space<hbm>>, %arg4: memref<32x2x128xf32, #tpu.memory_space<hbm>>, %arg5: memref<2x1x4xi32, #tpu.memory_space<vmem>>, %arg6: memref<2x4x128xf32, #tpu.memory_space<vmem>>, %arg7: memref<2x128xf32, #tpu.memory_space<vmem>>, %arg8: memref<!tpu.dma_semaphore, #tpu.memory_space<semaphore_mem>>) attributes {dimension_semantics = [#tpu.dimension_semantics<core_parallel>, #tpu.dimension_semantics<subcore_parallel>], iteration_bounds = array<i64: 2, 16>, scalar_prefetch = 0 : i64, scratch_operands = 4 : i64, tpu.core_type = #tpu.core_type<sc_vector_subcore>, window_params = [{transform_indices = #map}, {transform_indices = #map1}, {transform_indices = #map}]} {
    %mul3A = arith.constant 2 : i32
    %mul3A_0 = arith.muli %arg1, %mul3A : i32
    %add3A = arith.addi %mul3A_0, %arg0 : i32
    %mul3A_1 = arith.constant 2 : i32
    %mul3A_2 = arith.muli %add3A, %mul3A_1 : i32
    "tpu.region"() ({
      %run_scoped3A = tpu.sem_alloc : memref<!tpu.dma_semaphore, #tpu.memory_space<semaphore_mem>>
      %dma_start3A_691 = arith.constant 0 : i32
      %dma_start3A_692 = arith.constant 0 : i32
      %dma_start3A_693 = tpu.memref_slice %arg2[%mul3A_2, %dma_start3A_691, %dma_start3A_692] : memref<64x1x4xi32, #tpu.memory_space<hbm>> -> memref<2x1x4xi32, #tpu.memory_space<hbm>>
      %dma_start3A_694 = arith.constant 0 : i32
      %dma_start3A_695 = arith.constant 0 : i32
      %dma_start3A_696 = tpu.memref_slice %arg2[%mul3A_2, %dma_start3A_694, %dma_start3A_695] : memref<64x1x4xi32, #tpu.memory_space<hbm>> -> memref<2x1x4xi32, #tpu.memory_space<hbm>>
      tpu.enqueue_dma source(%dma_start3A_696 : memref<2x1x4xi32, #tpu.memory_space<hbm>>) target(%arg5 : memref<2x1x4xi32, #tpu.memory_space<vmem>>) target_semaphore(%run_scoped3A : memref<!tpu.dma_semaphore, #tpu.memory_space<semaphore_mem>>)
      %dma_wait3A_697 = arith.constant 0 : i32
      %dma_wait3A_698 = arith.constant 0 : i32
      %dma_wait3A_699 = tpu.memref_slice %arg2[%mul3A_2, %dma_wait3A_697, %dma_wait3A_698] : memref<64x1x4xi32, #tpu.memory_space<hbm>> -> memref<2x1x4xi32, #tpu.memory_space<hbm>>
      %dma_wait3A_700 = arith.constant 0 : i32
      %dma_wait3A_701 = arith.constant 0 : i32
      %dma_wait3A_702 = tpu.memref_slice %arg2[%mul3A_2, %dma_wait3A_700, %dma_wait3A_701] : memref<64x1x4xi32, #tpu.memory_space<hbm>> -> memref<2x1x4xi32, #tpu.memory_space<hbm>>
      tpu.wait_dma2 semaphore(%run_scoped3A : memref<!tpu.dma_semaphore, #tpu.memory_space<semaphore_mem>>) src(%dma_wait3A_702 : memref<2x1x4xi32, #tpu.memory_space<hbm>>) dst(%arg5 : memref<2x1x4xi32, #tpu.memory_space<vmem>>)
      tpu.yield
    }) : () -> ()
    %dma_start3A = arith.constant 0 : i32
    %dma_start3A_3 = arith.constant 0 : i32
    %dma_start3A_4 = arith.constant 0 : i32
    %dma_start3A_5 = arith.constant 0 : i32
    %dma_start3A_6 = arith.constant 0 : i32
    %dma_start3A_7 = tpu.memref_slice %arg6[%dma_start3A_4, %dma_start3A_5, %dma_start3A_6] : memref<2x4x128xf32, #tpu.memory_space<vmem>> -> memref<1x4x128xf32, #tpu.memory_space<vmem>>
    %dma_start3A_8 = tpu.memref_squeeze %dma_start3A_7 : memref<1x4x128xf32, #tpu.memory_space<vmem>> -> memref<4x128xf32, #tpu.memory_space<vmem>>
    %dma_start3A_9 = arith.constant 0 : i32
    %dma_start3A_10 = tpu.memref_slice %arg5[%dma_start3A, %dma_start3A_3, %dma_start3A_9] : memref<2x1x4xi32, #tpu.memory_space<vmem>> -> memref<1x1x4xi32, #tpu.memory_space<vmem>>
    %dma_start3A_11 = tpu.memref_squeeze %dma_start3A_10 : memref<1x1x4xi32, #tpu.memory_space<vmem>> -> memref<4xi32, #tpu.memory_space<vmem>>
    %dma_start3A_12 = arith.constant 0 : i32
    %dma_start3A_13 = arith.constant 0 : i32
    %dma_start3A_14 = tpu.memref_slice %arg3[%dma_start3A_12, %dma_start3A_13] : memref<524288x128xf32, #tpu.memory_space<hbm>> -> memref<524288x128xf32, #tpu.memory_space<hbm>>
    tpu.enqueue_indirect_dma source(%dma_start3A_14 : memref<524288x128xf32, #tpu.memory_space<hbm>>) target(%dma_start3A_8 : memref<4x128xf32, #tpu.memory_space<vmem>>) offsets(%dma_start3A_11 : memref<4xi32, #tpu.memory_space<vmem>>) semaphore(%arg8 : memref<!tpu.dma_semaphore, #tpu.memory_space<semaphore_mem>>)
    %dma_start3A_15 = arith.constant 1 : i32
    %dma_start3A_16 = arith.constant 0 : i32
    %dma_start3A_17 = arith.constant 1 : i32
    %dma_start3A_18 = arith.constant 0 : i32
    %dma_start3A_19 = arith.constant 0 : i32
    %dma_start3A_20 = tpu.memref_slice %arg6[%dma_start3A_17, %dma_start3A_18, %dma_start3A_19] : memref<2x4x128xf32, #tpu.memory_space<vmem>> -> memref<1x4x128xf32, #tpu.memory_space<vmem>>
    %dma_start3A_21 = tpu.memref_squeeze %dma_start3A_20 : memref<1x4x128xf32, #tpu.memory_space<vmem>> -> memref<4x128xf32, #tpu.memory_space<vmem>>
    %dma_start3A_22 = arith.constant 0 : i32
    %dma_start3A_23 = tpu.memref_slice %arg5[%dma_start3A_15, %dma_start3A_16, %dma_start3A_22] : memref<2x1x4xi32, #tpu.memory_space<vmem>> -> memref<1x1x4xi32, #tpu.memory_space<vmem>>
    %dma_start3A_24 = tpu.memref_squeeze %dma_start3A_23 : memref<1x1x4xi32, #tpu.memory_space<vmem>> -> memref<4xi32, #tpu.memory_space<vmem>>
    %dma_start3A_25 = arith.constant 0 : i32
    %dma_start3A_26 = arith.constant 0 : i32
    %dma_start3A_27 = tpu.memref_slice %arg3[%dma_start3A_25, %dma_start3A_26] : memref<524288x128xf32, #tpu.memory_space<hbm>> -> memref<524288x128xf32, #tpu.memory_space<hbm>>
    tpu.enqueue_indirect_dma source(%dma_start3A_27 : memref<524288x128xf32, #tpu.memory_space<hbm>>) target(%dma_start3A_21 : memref<4x128xf32, #tpu.memory_space<vmem>>) offsets(%dma_start3A_24 : memref<4xi32, #tpu.memory_space<vmem>>) semaphore(%arg8 : memref<!tpu.dma_semaphore, #tpu.memory_space<semaphore_mem>>)
    %dma_wait3A = arith.constant 0 : i32
    %dma_wait3A_28 = arith.constant 0 : i32
    %dma_wait3A_29 = arith.constant 0 : i32
    %dma_wait3A_30 = arith.constant 0 : i32
    %dma_wait3A_31 = arith.constant 0 : i32
    %dma_wait3A_32 = tpu.memref_slice %arg6[%dma_wait3A_29, %dma_wait3A_30, %dma_wait3A_31] : memref<2x4x128xf32, #tpu.memory_space<vmem>> -> memref<1x4x128xf32, #tpu.memory_space<vmem>>
    %dma_wait3A_33 = tpu.memref_squeeze %dma_wait3A_32 : memref<1x4x128xf32, #tpu.memory_space<vmem>> -> memref<4x128xf32, #tpu.memory_space<vmem>>
    %dma_wait3A_34 = arith.constant 0 : i32
    %dma_wait3A_35 = tpu.memref_slice %arg5[%dma_wait3A, %dma_wait3A_28, %dma_wait3A_34] : memref<2x1x4xi32, #tpu.memory_space<vmem>> -> memref<1x1x4xi32, #tpu.memory_space<vmem>>
    %dma_wait3A_36 = tpu.memref_squeeze %dma_wait3A_35 : memref<1x1x4xi32, #tpu.memory_space<vmem>> -> memref<4xi32, #tpu.memory_space<vmem>>
    %dma_wait3A_37 = arith.constant 0 : i32
    %dma_wait3A_38 = arith.constant 0 : i32
    %dma_wait3A_39 = tpu.memref_slice %arg3[%dma_wait3A_37, %dma_wait3A_38] : memref<524288x128xf32, #tpu.memory_space<hbm>> -> memref<524288x128xf32, #tpu.memory_space<hbm>>
    tpu.wait_indirect_dma semaphore(%arg8 : memref<!tpu.dma_semaphore, #tpu.memory_space<semaphore_mem>>) src(%dma_wait3A_39 : memref<524288x128xf32, #tpu.memory_space<hbm>>) dst(%dma_wait3A_33 : memref<4x128xf32, #tpu.memory_space<vmem>>)
    %dma_wait3A_40 = arith.constant 1 : i32
    %dma_wait3A_41 = arith.constant 0 : i32
    %dma_wait3A_42 = arith.constant 1 : i32
    %dma_wait3A_43 = arith.constant 0 : i32
    %dma_wait3A_44 = arith.constant 0 : i32
    %dma_wait3A_45 = tpu.memref_slice %arg6[%dma_wait3A_42, %dma_wait3A_43, %dma_wait3A_44] : memref<2x4x128xf32, #tpu.memory_space<vmem>> -> memref<1x4x128xf32, #tpu.memory_space<vmem>>
    %dma_wait3A_46 = tpu.memref_squeeze %dma_wait3A_45 : memref<1x4x128xf32, #tpu.memory_space<vmem>> -> memref<4x128xf32, #tpu.memory_space<vmem>>
    %dma_wait3A_47 = arith.constant 0 : i32
    %dma_wait3A_48 = tpu.memref_slice %arg5[%dma_wait3A_40, %dma_wait3A_41, %dma_wait3A_47] : memref<2x1x4xi32, #tpu.memory_space<vmem>> -> memref<1x1x4xi32, #tpu.memory_space<vmem>>
    %dma_wait3A_49 = tpu.memref_squeeze %dma_wait3A_48 : memref<1x1x4xi32, #tpu.memory_space<vmem>> -> memref<4xi32, #tpu.memory_space<vmem>>
    %dma_wait3A_50 = arith.constant 0 : i32
    %dma_wait3A_51 = arith.constant 0 : i32
    %dma_wait3A_52 = tpu.memref_slice %arg3[%dma_wait3A_50, %dma_wait3A_51] : memref<524288x128xf32, #tpu.memory_space<hbm>> -> memref<524288x128xf32, #tpu.memory_space<hbm>>
    tpu.wait_indirect_dma semaphore(%arg8 : memref<!tpu.dma_semaphore, #tpu.memory_space<semaphore_mem>>) src(%dma_wait3A_52 : memref<524288x128xf32, #tpu.memory_space<hbm>>) dst(%dma_wait3A_46 : memref<4x128xf32, #tpu.memory_space<vmem>>)
    %get3A = arith.constant 0 : i32
    %get3A_53 = arith.constant 0 : i32
    %get3A_54 = arith.index_cast %get3A : i32 to index
    %get3A_55 = arith.index_cast %get3A_53 : i32 to index
    %get3A_56 = arith.constant 0 : index
    %get3A_57 = tpu.vector_load %arg6[%get3A_54, %get3A_55, %get3A_56] {strides = array<i32>} : memref<2x4x128xf32, #tpu.memory_space<vmem>>, vector<1x1x16xf32>,
    %get3A_58 = vector.shape_cast %get3A_57 : vector<1x1x16xf32> to vector<16xf32>
    %get3A_59 = arith.constant 0 : i32
    %get3A_60 = arith.constant 1 : i32
    %get3A_61 = arith.index_cast %get3A_59 : i32 to index
    %get3A_62 = arith.index_cast %get3A_60 : i32 to index
    %get3A_63 = arith.constant 0 : index
    %get3A_64 = tpu.vector_load %arg6[%get3A_61, %get3A_62, %get3A_63] {strides = array<i32>} : memref<2x4x128xf32, #tpu.memory_space<vmem>>, vector<1x1x16xf32>,
    %get3A_65 = vector.shape_cast %get3A_64 : vector<1x1x16xf32> to vector<16xf32>
    %add3A_66 = arith.addf %get3A_58, %get3A_65 : vector<16xf32>
    %get3A_67 = arith.constant 0 : i32
    %get3A_68 = arith.constant 2 : i32
    %get3A_69 = arith.index_cast %get3A_67 : i32 to index
    %get3A_70 = arith.index_cast %get3A_68 : i32 to index
    %get3A_71 = arith.constant 0 : index
    %get3A_72 = tpu.vector_load %arg6[%get3A_69, %get3A_70, %get3A_71] {strides = array<i32>} : memref<2x4x128xf32, #tpu.memory_space<vmem>>, vector<1x1x16xf32>,
    %get3A_73 = vector.shape_cast %get3A_72 : vector<1x1x16xf32> to vector<16xf32>
    %get3A_74 = arith.constant 0 : i32
    %get3A_75 = arith.constant 3 : i32
    %get3A_76 = arith.index_cast %get3A_74 : i32 to index
    %get3A_77 = arith.index_cast %get3A_75 : i32 to index
    %get3A_78 = arith.constant 0 : index
    %get3A_79 = tpu.vector_load %arg6[%get3A_76, %get3A_77, %get3A_78] {strides = array<i32>} : memref<2x4x128xf32, #tpu.memory_space<vmem>>, vector<1x1x16xf32>,
    %get3A_80 = vector.shape_cast %get3A_79 : vector<1x1x16xf32> to vector<16xf32>
    %add3A_81 = arith.addf %get3A_73, %get3A_80 : vector<16xf32>
    %add3A_82 = arith.addf %add3A_66, %add3A_81 : vector<16xf32>
    %mul3A_83 = arith.constant 2.500000e-01 : f32
    %mul3A_84 = vector.broadcast %mul3A_83 : f32 to vector<16xf32>
    %mul3A_85 = arith.mulf %add3A_82, %mul3A_84 : vector<16xf32>
    %swap3A = arith.constant 0 : i32
    %swap3A_86 = arith.index_cast %swap3A : i32 to index
    %swap3A_87 = arith.constant 0 : index
    %swap3A_88 = tpu.vector_load %arg7[%swap3A_86, %swap3A_87] {strides = array<i32>} : memref<2x128xf32, #tpu.memory_space<vmem>>, vector<1x16xf32>,
    %swap3A_89 = vector.shape_cast %swap3A_88 : vector<1x16xf32> to vector<16xf32>
    %swap3A_90 = vector.shape_cast %mul3A_85 : vector<16xf32> to vector<1x16xf32>
    tpu.vector_store %arg7[%swap3A_86, %swap3A_87], %swap3A_90 {strides = array<i32>} : memref<2x128xf32, #tpu.memory_space<vmem>>, vector<1x16xf32>,
    %get3A_91 = arith.constant 0 : i32
    %get3A_92 = arith.constant 0 : i32
    %get3A_93 = arith.index_cast %get3A_91 : i32 to index
    %get3A_94 = arith.index_cast %get3A_92 : i32 to index
    %get3A_95 = arith.constant 16 : index
    %get3A_96 = tpu.vector_load %arg6[%get3A_93, %get3A_94, %get3A_95] {strides = array<i32>} : memref<2x4x128xf32, #tpu.memory_space<vmem>>, vector<1x1x16xf32>,
    %get3A_97 = vector.shape_cast %get3A_96 : vector<1x1x16xf32> to vector<16xf32>
    %get3A_98 = arith.constant 0 : i32
    %get3A_99 = arith.constant 1 : i32
    %get3A_100 = arith.index_cast %get3A_98 : i32 to index
    %get3A_101 = arith.index_cast %get3A_99 : i32 to index
    %get3A_102 = arith.constant 16 : index
    %get3A_103 = tpu.vector_load %arg6[%get3A_100, %get3A_101, %get3A_102] {strides = array<i32>} : memref<2x4x128xf32, #tpu.memory_space<vmem>>, vector<1x1x16xf32>,
    %get3A_104 = vector.shape_cast %get3A_103 : vector<1x1x16xf32> to vector<16xf32>
    %add3A_105 = arith.addf %get3A_97, %get3A_104 : vector<16xf32>
    %get3A_106 = arith.constant 0 : i32
    %get3A_107 = arith.constant 2 : i32
    %get3A_108 = arith.index_cast %get3A_106 : i32 to index
    %get3A_109 = arith.index_cast %get3A_107 : i32 to index
    %get3A_110 = arith.constant 16 : index
    %get3A_111 = tpu.vector_load %arg6[%get3A_108, %get3A_109, %get3A_110] {strides = array<i32>} : memref<2x4x128xf32, #tpu.memory_space<vmem>>, vector<1x1x16xf32>,
    %get3A_112 = vector.shape_cast %get3A_111 : vector<1x1x16xf32> to vector<16xf32>
    %get3A_113 = arith.constant 0 : i32
    %get3A_114 = arith.constant 3 : i32
    %get3A_115 = arith.index_cast %get3A_113 : i32 to index
    %get3A_116 = arith.index_cast %get3A_114 : i32 to index
    %get3A_117 = arith.constant 16 : index
    %get3A_118 = tpu.vector_load %arg6[%get3A_115, %get3A_116, %get3A_117] {strides = array<i32>} : memref<2x4x128xf32, #tpu.memory_space<vmem>>, vector<1x1x16xf32>,
    %get3A_119 = vector.shape_cast %get3A_118 : vector<1x1x16xf32> to vector<16xf32>
    %add3A_120 = arith.addf %get3A_112, %get3A_119 : vector<16xf32>
    %add3A_121 = arith.addf %add3A_105, %add3A_120 : vector<16xf32>
    %mul3A_122 = arith.constant 2.500000e-01 : f32
    %mul3A_123 = vector.broadcast %mul3A_122 : f32 to vector<16xf32>
    %mul3A_124 = arith.mulf %add3A_121, %mul3A_123 : vector<16xf32>
    %swap3A_125 = arith.constant 0 : i32
    %swap3A_126 = arith.index_cast %swap3A_125 : i32 to index
    %swap3A_127 = arith.constant 16 : index
    %swap3A_128 = tpu.vector_load %arg7[%swap3A_126, %swap3A_127] {strides = array<i32>} : memref<2x128xf32, #tpu.memory_space<vmem>>, vector<1x16xf32>,
    %swap3A_129 = vector.shape_cast %swap3A_128 : vector<1x16xf32> to vector<16xf32>
    %swap3A_130 = vector.shape_cast %mul3A_124 : vector<16xf32> to vector<1x16xf32>
    tpu.vector_store %arg7[%swap3A_126, %swap3A_127], %swap3A_130 {strides = array<i32>} : memref<2x128xf32, #tpu.memory_space<vmem>>, vector<1x16xf32>,
    %get3A_131 = arith.constant 0 : i32
    %get3A_132 = arith.constant 0 : i32
    %get3A_133 = arith.index_cast %get3A_131 : i32 to index
    %get3A_134 = arith.index_cast %get3A_132 : i32 to index
    %get3A_135 = arith.constant 32 : index
    %get3A_136 = tpu.vector_load %arg6[%get3A_133, %get3A_134, %get3A_135] {strides = array<i32>} : memref<2x4x128xf32, #tpu.memory_space<vmem>>, vector<1x1x16xf32>,
    %get3A_137 = vector.shape_cast %get3A_136 : vector<1x1x16xf32> to vector<16xf32>
    %get3A_138 = arith.constant 0 : i32
    %get3A_139 = arith.constant 1 : i32
    %get3A_140 = arith.index_cast %get3A_138 : i32 to index
    %get3A_141 = arith.index_cast %get3A_139 : i32 to index
    %get3A_142 = arith.constant 32 : index
    %get3A_143 = tpu.vector_load %arg6[%get3A_140, %get3A_141, %get3A_142] {strides = array<i32>} : memref<2x4x128xf32, #tpu.memory_space<vmem>>, vector<1x1x16xf32>,
    %get3A_144 = vector.shape_cast %get3A_143 : vector<1x1x16xf32> to vector<16xf32>
    %add3A_145 = arith.addf %get3A_137, %get3A_144 : vector<16xf32>
    %get3A_146 = arith.constant 0 : i32
    %get3A_147 = arith.constant 2 : i32
    %get3A_148 = arith.index_cast %get3A_146 : i32 to index
    %get3A_149 = arith.index_cast %get3A_147 : i32 to index
    %get3A_150 = arith.constant 32 : index
    %get3A_151 = tpu.vector_load %arg6[%get3A_148, %get3A_149, %get3A_150] {strides = array<i32>} : memref<2x4x128xf32, #tpu.memory_space<vmem>>, vector<1x1x16xf32>,
    %get3A_152 = vector.shape_cast %get3A_151 : vector<1x1x16xf32> to vector<16xf32>
    %get3A_153 = arith.constant 0 : i32
    %get3A_154 = arith.constant 3 : i32
    %get3A_155 = arith.index_cast %get3A_153 : i32 to index
    %get3A_156 = arith.index_cast %get3A_154 : i32 to index
    %get3A_157 = arith.constant 32 : index
    %get3A_158 = tpu.vector_load %arg6[%get3A_155, %get3A_156, %get3A_157] {strides = array<i32>} : memref<2x4x128xf32, #tpu.memory_space<vmem>>, vector<1x1x16xf32>,
    %get3A_159 = vector.shape_cast %get3A_158 : vector<1x1x16xf32> to vector<16xf32>
    %add3A_160 = arith.addf %get3A_152, %get3A_159 : vector<16xf32>
    %add3A_161 = arith.addf %add3A_145, %add3A_160 : vector<16xf32>
    %mul3A_162 = arith.constant 2.500000e-01 : f32
    %mul3A_163 = vector.broadcast %mul3A_162 : f32 to vector<16xf32>
    %mul3A_164 = arith.mulf %add3A_161, %mul3A_163 : vector<16xf32>
    %swap3A_165 = arith.constant 0 : i32
    %swap3A_166 = arith.index_cast %swap3A_165 : i32 to index
    %swap3A_167 = arith.constant 32 : index
    %swap3A_168 = tpu.vector_load %arg7[%swap3A_166, %swap3A_167] {strides = array<i32>} : memref<2x128xf32, #tpu.memory_space<vmem>>, vector<1x16xf32>,
    %swap3A_169 = vector.shape_cast %swap3A_168 : vector<1x16xf32> to vector<16xf32>
    %swap3A_170 = vector.shape_cast %mul3A_164 : vector<16xf32> to vector<1x16xf32>
    tpu.vector_store %arg7[%swap3A_166, %swap3A_167], %swap3A_170 {strides = array<i32>} : memref<2x128xf32, #tpu.memory_space<vmem>>, vector<1x16xf32>,
    %get3A_171 = arith.constant 0 : i32
    %get3A_172 = arith.constant 0 : i32
    %get3A_173 = arith.index_cast %get3A_171 : i32 to index
    %get3A_174 = arith.index_cast %get3A_172 : i32 to index
    %get3A_175 = arith.constant 48 : index
    %get3A_176 = tpu.vector_load %arg6[%get3A_173, %get3A_174, %get3A_175] {strides = array<i32>} : memref<2x4x128xf32, #tpu.memory_space<vmem>>, vector<1x1x16xf32>,
    %get3A_177 = vector.shape_cast %get3A_176 : vector<1x1x16xf32> to vector<16xf32>
    %get3A_178 = arith.constant 0 : i32
    %get3A_179 = arith.constant 1 : i32
    %get3A_180 = arith.index_cast %get3A_178 : i32 to index
    %get3A_181 = arith.index_cast %get3A_179 : i32 to index
    %get3A_182 = arith.constant 48 : index
    %get3A_183 = tpu.vector_load %arg6[%get3A_180, %get3A_181, %get3A_182] {strides = array<i32>} : memref<2x4x128xf32, #tpu.memory_space<vmem>>, vector<1x1x16xf32>,
    %get3A_184 = vector.shape_cast %get3A_183 : vector<1x1x16xf32> to vector<16xf32>
    %add3A_185 = arith.addf %get3A_177, %get3A_184 : vector<16xf32>
    %get3A_186 = arith.constant 0 : i32
    %get3A_187 = arith.constant 2 : i32
    %get3A_188 = arith.index_cast %get3A_186 : i32 to index
    %get3A_189 = arith.index_cast %get3A_187 : i32 to index
    %get3A_190 = arith.constant 48 : index
    %get3A_191 = tpu.vector_load %arg6[%get3A_188, %get3A_189, %get3A_190] {strides = array<i32>} : memref<2x4x128xf32, #tpu.memory_space<vmem>>, vector<1x1x16xf32>,
    %get3A_192 = vector.shape_cast %get3A_191 : vector<1x1x16xf32> to vector<16xf32>
    %get3A_193 = arith.constant 0 : i32
    %get3A_194 = arith.constant 3 : i32
    %get3A_195 = arith.index_cast %get3A_193 : i32 to index
    %get3A_196 = arith.index_cast %get3A_194 : i32 to index
    %get3A_197 = arith.constant 48 : index
    %get3A_198 = tpu.vector_load %arg6[%get3A_195, %get3A_196, %get3A_197] {strides = array<i32>} : memref<2x4x128xf32, #tpu.memory_space<vmem>>, vector<1x1x16xf32>,
    %get3A_199 = vector.shape_cast %get3A_198 : vector<1x1x16xf32> to vector<16xf32>
    %add3A_200 = arith.addf %get3A_192, %get3A_199 : vector<16xf32>
    %add3A_201 = arith.addf %add3A_185, %add3A_200 : vector<16xf32>
    %mul3A_202 = arith.constant 2.500000e-01 : f32
    %mul3A_203 = vector.broadcast %mul3A_202 : f32 to vector<16xf32>
    %mul3A_204 = arith.mulf %add3A_201, %mul3A_203 : vector<16xf32>
    %swap3A_205 = arith.constant 0 : i32
    %swap3A_206 = arith.index_cast %swap3A_205 : i32 to index
    %swap3A_207 = arith.constant 48 : index
    %swap3A_208 = tpu.vector_load %arg7[%swap3A_206, %swap3A_207] {strides = array<i32>} : memref<2x128xf32, #tpu.memory_space<vmem>>, vector<1x16xf32>,
    %swap3A_209 = vector.shape_cast %swap3A_208 : vector<1x16xf32> to vector<16xf32>
    %swap3A_210 = vector.shape_cast %mul3A_204 : vector<16xf32> to vector<1x16xf32>
    tpu.vector_store %arg7[%swap3A_206, %swap3A_207], %swap3A_210 {strides = array<i32>} : memref<2x128xf32, #tpu.memory_space<vmem>>, vector<1x16xf32>,
    %get3A_211 = arith.constant 0 : i32
    %get3A_212 = arith.constant 0 : i32
    %get3A_213 = arith.index_cast %get3A_211 : i32 to index
    %get3A_214 = arith.index_cast %get3A_212 : i32 to index
    %get3A_215 = arith.constant 64 : index
    %get3A_216 = tpu.vector_load %arg6[%get3A_213, %get3A_214, %get3A_215] {strides = array<i32>} : memref<2x4x128xf32, #tpu.memory_space<vmem>>, vector<1x1x16xf32>,
    %get3A_217 = vector.shape_cast %get3A_216 : vector<1x1x16xf32> to vector<16xf32>
    %get3A_218 = arith.constant 0 : i32
    %get3A_219 = arith.constant 1 : i32
    %get3A_220 = arith.index_cast %get3A_218 : i32 to index
    %get3A_221 = arith.index_cast %get3A_219 : i32 to index
    %get3A_222 = arith.constant 64 : index
    %get3A_223 = tpu.vector_load %arg6[%get3A_220, %get3A_221, %get3A_222] {strides = array<i32>} : memref<2x4x128xf32, #tpu.memory_space<vmem>>, vector<1x1x16xf32>,
    %get3A_224 = vector.shape_cast %get3A_223 : vector<1x1x16xf32> to vector<16xf32>
    %add3A_225 = arith.addf %get3A_217, %get3A_224 : vector<16xf32>
    %get3A_226 = arith.constant 0 : i32
    %get3A_227 = arith.constant 2 : i32
    %get3A_228 = arith.index_cast %get3A_226 : i32 to index
    %get3A_229 = arith.index_cast %get3A_227 : i32 to index
    %get3A_230 = arith.constant 64 : index
    %get3A_231 = tpu.vector_load %arg6[%get3A_228, %get3A_229, %get3A_230] {strides = array<i32>} : memref<2x4x128xf32, #tpu.memory_space<vmem>>, vector<1x1x16xf32>,
    %get3A_232 = vector.shape_cast %get3A_231 : vector<1x1x16xf32> to vector<16xf32>
    %get3A_233 = arith.constant 0 : i32
    %get3A_234 = arith.constant 3 : i32
    %get3A_235 = arith.index_cast %get3A_233 : i32 to index
    %get3A_236 = arith.index_cast %get3A_234 : i32 to index
    %get3A_237 = arith.constant 64 : index
    %get3A_238 = tpu.vector_load %arg6[%get3A_235, %get3A_236, %get3A_237] {strides = array<i32>} : memref<2x4x128xf32, #tpu.memory_space<vmem>>, vector<1x1x16xf32>,
    %get3A_239 = vector.shape_cast %get3A_238 : vector<1x1x16xf32> to vector<16xf32>
    %add3A_240 = arith.addf %get3A_232, %get3A_239 : vector<16xf32>
    %add3A_241 = arith.addf %add3A_225, %add3A_240 : vector<16xf32>
    %mul3A_242 = arith.constant 2.500000e-01 : f32
    %mul3A_243 = vector.broadcast %mul3A_242 : f32 to vector<16xf32>
    %mul3A_244 = arith.mulf %add3A_241, %mul3A_243 : vector<16xf32>
    %swap3A_245 = arith.constant 0 : i32
    %swap3A_246 = arith.index_cast %swap3A_245 : i32 to index
    %swap3A_247 = arith.constant 64 : index
    %swap3A_248 = tpu.vector_load %arg7[%swap3A_246, %swap3A_247] {strides = array<i32>} : memref<2x128xf32, #tpu.memory_space<vmem>>, vector<1x16xf32>,
    %swap3A_249 = vector.shape_cast %swap3A_248 : vector<1x16xf32> to vector<16xf32>
    %swap3A_250 = vector.shape_cast %mul3A_244 : vector<16xf32> to vector<1x16xf32>
    tpu.vector_store %arg7[%swap3A_246, %swap3A_247], %swap3A_250 {strides = array<i32>} : memref<2x128xf32, #tpu.memory_space<vmem>>, vector<1x16xf32>,
    %get3A_251 = arith.constant 0 : i32
    %get3A_252 = arith.constant 0 : i32
    %get3A_253 = arith.index_cast %get3A_251 : i32 to index
    %get3A_254 = arith.index_cast %get3A_252 : i32 to index
    %get3A_255 = arith.constant 80 : index
    %get3A_256 = tpu.vector_load %arg6[%get3A_253, %get3A_254, %get3A_255] {strides = array<i32>} : memref<2x4x128xf32, #tpu.memory_space<vmem>>, vector<1x1x16xf32>,
    %get3A_257 = vector.shape_cast %get3A_256 : vector<1x1x16xf32> to vector<16xf32>
    %get3A_258 = arith.constant 0 : i32
    %get3A_259 = arith.constant 1 : i32
    %get3A_260 = arith.index_cast %get3A_258 : i32 to index
    %get3A_261 = arith.index_cast %get3A_259 : i32 to index
    %get3A_262 = arith.constant 80 : index
    %get3A_263 = tpu.vector_load %arg6[%get3A_260, %get3A_261, %get3A_262] {strides = array<i32>} : memref<2x4x128xf32, #tpu.memory_space<vmem>>, vector<1x1x16xf32>,
    %get3A_264 = vector.shape_cast %get3A_263 : vector<1x1x16xf32> to vector<16xf32>
    %add3A_265 = arith.addf %get3A_257, %get3A_264 : vector<16xf32>
    %get3A_266 = arith.constant 0 : i32
    %get3A_267 = arith.constant 2 : i32
    %get3A_268 = arith.index_cast %get3A_266 : i32 to index
    %get3A_269 = arith.index_cast %get3A_267 : i32 to index
    %get3A_270 = arith.constant 80 : index
    %get3A_271 = tpu.vector_load %arg6[%get3A_268, %get3A_269, %get3A_270] {strides = array<i32>} : memref<2x4x128xf32, #tpu.memory_space<vmem>>, vector<1x1x16xf32>,
    %get3A_272 = vector.shape_cast %get3A_271 : vector<1x1x16xf32> to vector<16xf32>
    %get3A_273 = arith.constant 0 : i32
    %get3A_274 = arith.constant 3 : i32
    %get3A_275 = arith.index_cast %get3A_273 : i32 to index
    %get3A_276 = arith.index_cast %get3A_274 : i32 to index
    %get3A_277 = arith.constant 80 : index
    %get3A_278 = tpu.vector_load %arg6[%get3A_275, %get3A_276, %get3A_277] {strides = array<i32>} : memref<2x4x128xf32, #tpu.memory_space<vmem>>, vector<1x1x16xf32>,
    %get3A_279 = vector.shape_cast %get3A_278 : vector<1x1x16xf32> to vector<16xf32>
    %add3A_280 = arith.addf %get3A_272, %get3A_279 : vector<16xf32>
    %add3A_281 = arith.addf %add3A_265, %add3A_280 : vector<16xf32>
    %mul3A_282 = arith.constant 2.500000e-01 : f32
    %mul3A_283 = vector.broadcast %mul3A_282 : f32 to vector<16xf32>
    %mul3A_284 = arith.mulf %add3A_281, %mul3A_283 : vector<16xf32>
    %swap3A_285 = arith.constant 0 : i32
    %swap3A_286 = arith.index_cast %swap3A_285 : i32 to index
    %swap3A_287 = arith.constant 80 : index
    %swap3A_288 = tpu.vector_load %arg7[%swap3A_286, %swap3A_287] {strides = array<i32>} : memref<2x128xf32, #tpu.memory_space<vmem>>, vector<1x16xf32>,
    %swap3A_289 = vector.shape_cast %swap3A_288 : vector<1x16xf32> to vector<16xf32>
    %swap3A_290 = vector.shape_cast %mul3A_284 : vector<16xf32> to vector<1x16xf32>
    tpu.vector_store %arg7[%swap3A_286, %swap3A_287], %swap3A_290 {strides = array<i32>} : memref<2x128xf32, #tpu.memory_space<vmem>>, vector<1x16xf32>,
    %get3A_291 = arith.constant 0 : i32
    %get3A_292 = arith.constant 0 : i32
    %get3A_293 = arith.index_cast %get3A_291 : i32 to index
    %get3A_294 = arith.index_cast %get3A_292 : i32 to index
    %get3A_295 = arith.constant 96 : index
    %get3A_296 = tpu.vector_load %arg6[%get3A_293, %get3A_294, %get3A_295] {strides = array<i32>} : memref<2x4x128xf32, #tpu.memory_space<vmem>>, vector<1x1x16xf32>,
    %get3A_297 = vector.shape_cast %get3A_296 : vector<1x1x16xf32> to vector<16xf32>
    %get3A_298 = arith.constant 0 : i32
    %get3A_299 = arith.constant 1 : i32
    %get3A_300 = arith.index_cast %get3A_298 : i32 to index
    %get3A_301 = arith.index_cast %get3A_299 : i32 to index
    %get3A_302 = arith.constant 96 : index
    %get3A_303 = tpu.vector_load %arg6[%get3A_300, %get3A_301, %get3A_302] {strides = array<i32>} : memref<2x4x128xf32, #tpu.memory_space<vmem>>, vector<1x1x16xf32>,
    %get3A_304 = vector.shape_cast %get3A_303 : vector<1x1x16xf32> to vector<16xf32>
    %add3A_305 = arith.addf %get3A_297, %get3A_304 : vector<16xf32>
    %get3A_306 = arith.constant 0 : i32
    %get3A_307 = arith.constant 2 : i32
    %get3A_308 = arith.index_cast %get3A_306 : i32 to index
    %get3A_309 = arith.index_cast %get3A_307 : i32 to index
    %get3A_310 = arith.constant 96 : index
    %get3A_311 = tpu.vector_load %arg6[%get3A_308, %get3A_309, %get3A_310] {strides = array<i32>} : memref<2x4x128xf32, #tpu.memory_space<vmem>>, vector<1x1x16xf32>,
    %get3A_312 = vector.shape_cast %get3A_311 : vector<1x1x16xf32> to vector<16xf32>
    %get3A_313 = arith.constant 0 : i32
    %get3A_314 = arith.constant 3 : i32
    %get3A_315 = arith.index_cast %get3A_313 : i32 to index
    %get3A_316 = arith.index_cast %get3A_314 : i32 to index
    %get3A_317 = arith.constant 96 : index
    %get3A_318 = tpu.vector_load %arg6[%get3A_315, %get3A_316, %get3A_317] {strides = array<i32>} : memref<2x4x128xf32, #tpu.memory_space<vmem>>, vector<1x1x16xf32>,
    %get3A_319 = vector.shape_cast %get3A_318 : vector<1x1x16xf32> to vector<16xf32>
    %add3A_320 = arith.addf %get3A_312, %get3A_319 : vector<16xf32>
    %add3A_321 = arith.addf %add3A_305, %add3A_320 : vector<16xf32>
    %mul3A_322 = arith.constant 2.500000e-01 : f32
    %mul3A_323 = vector.broadcast %mul3A_322 : f32 to vector<16xf32>
    %mul3A_324 = arith.mulf %add3A_321, %mul3A_323 : vector<16xf32>
    %swap3A_325 = arith.constant 0 : i32
    %swap3A_326 = arith.index_cast %swap3A_325 : i32 to index
    %swap3A_327 = arith.constant 96 : index
    %swap3A_328 = tpu.vector_load %arg7[%swap3A_326, %swap3A_327] {strides = array<i32>} : memref<2x128xf32, #tpu.memory_space<vmem>>, vector<1x16xf32>,
    %swap3A_329 = vector.shape_cast %swap3A_328 : vector<1x16xf32> to vector<16xf32>
    %swap3A_330 = vector.shape_cast %mul3A_324 : vector<16xf32> to vector<1x16xf32>
    tpu.vector_store %arg7[%swap3A_326, %swap3A_327], %swap3A_330 {strides = array<i32>} : memref<2x128xf32, #tpu.memory_space<vmem>>, vector<1x16xf32>,
    %get3A_331 = arith.constant 0 : i32
    %get3A_332 = arith.constant 0 : i32
    %get3A_333 = arith.index_cast %get3A_331 : i32 to index
    %get3A_334 = arith.index_cast %get3A_332 : i32 to index
    %get3A_335 = arith.constant 112 : index
    %get3A_336 = tpu.vector_load %arg6[%get3A_333, %get3A_334, %get3A_335] {strides = array<i32>} : memref<2x4x128xf32, #tpu.memory_space<vmem>>, vector<1x1x16xf32>,
    %get3A_337 = vector.shape_cast %get3A_336 : vector<1x1x16xf32> to vector<16xf32>
    %get3A_338 = arith.constant 0 : i32
    %get3A_339 = arith.constant 1 : i32
    %get3A_340 = arith.index_cast %get3A_338 : i32 to index
    %get3A_341 = arith.index_cast %get3A_339 : i32 to index
    %get3A_342 = arith.constant 112 : index
    %get3A_343 = tpu.vector_load %arg6[%get3A_340, %get3A_341, %get3A_342] {strides = array<i32>} : memref<2x4x128xf32, #tpu.memory_space<vmem>>, vector<1x1x16xf32>,
    %get3A_344 = vector.shape_cast %get3A_343 : vector<1x1x16xf32> to vector<16xf32>
    %add3A_345 = arith.addf %get3A_337, %get3A_344 : vector<16xf32>
    %get3A_346 = arith.constant 0 : i32
    %get3A_347 = arith.constant 2 : i32
    %get3A_348 = arith.index_cast %get3A_346 : i32 to index
    %get3A_349 = arith.index_cast %get3A_347 : i32 to index
    %get3A_350 = arith.constant 112 : index
    %get3A_351 = tpu.vector_load %arg6[%get3A_348, %get3A_349, %get3A_350] {strides = array<i32>} : memref<2x4x128xf32, #tpu.memory_space<vmem>>, vector<1x1x16xf32>,
    %get3A_352 = vector.shape_cast %get3A_351 : vector<1x1x16xf32> to vector<16xf32>
    %get3A_353 = arith.constant 0 : i32
    %get3A_354 = arith.constant 3 : i32
    %get3A_355 = arith.index_cast %get3A_353 : i32 to index
    %get3A_356 = arith.index_cast %get3A_354 : i32 to index
    %get3A_357 = arith.constant 112 : index
    %get3A_358 = tpu.vector_load %arg6[%get3A_355, %get3A_356, %get3A_357] {strides = array<i32>} : memref<2x4x128xf32, #tpu.memory_space<vmem>>, vector<1x1x16xf32>,
    %get3A_359 = vector.shape_cast %get3A_358 : vector<1x1x16xf32> to vector<16xf32>
    %add3A_360 = arith.addf %get3A_352, %get3A_359 : vector<16xf32>
    %add3A_361 = arith.addf %add3A_345, %add3A_360 : vector<16xf32>
    %mul3A_362 = arith.constant 2.500000e-01 : f32
    %mul3A_363 = vector.broadcast %mul3A_362 : f32 to vector<16xf32>
    %mul3A_364 = arith.mulf %add3A_361, %mul3A_363 : vector<16xf32>
    %swap3A_365 = arith.constant 0 : i32
    %swap3A_366 = arith.index_cast %swap3A_365 : i32 to index
    %swap3A_367 = arith.constant 112 : index
    %swap3A_368 = tpu.vector_load %arg7[%swap3A_366, %swap3A_367] {strides = array<i32>} : memref<2x128xf32, #tpu.memory_space<vmem>>, vector<1x16xf32>,
    %swap3A_369 = vector.shape_cast %swap3A_368 : vector<1x16xf32> to vector<16xf32>
    %swap3A_370 = vector.shape_cast %mul3A_364 : vector<16xf32> to vector<1x16xf32>
    tpu.vector_store %arg7[%swap3A_366, %swap3A_367], %swap3A_370 {strides = array<i32>} : memref<2x128xf32, #tpu.memory_space<vmem>>, vector<1x16xf32>,
    %get3A_371 = arith.constant 1 : i32
    %get3A_372 = arith.constant 0 : i32
    %get3A_373 = arith.index_cast %get3A_371 : i32 to index
    %get3A_374 = arith.index_cast %get3A_372 : i32 to index
    %get3A_375 = arith.constant 0 : index
    %get3A_376 = tpu.vector_load %arg6[%get3A_373, %get3A_374, %get3A_375] {strides = array<i32>} : memref<2x4x128xf32, #tpu.memory_space<vmem>>, vector<1x1x16xf32>,
    %get3A_377 = vector.shape_cast %get3A_376 : vector<1x1x16xf32> to vector<16xf32>
    %get3A_378 = arith.constant 1 : i32
    %get3A_379 = arith.constant 1 : i32
    %get3A_380 = arith.index_cast %get3A_378 : i32 to index
    %get3A_381 = arith.index_cast %get3A_379 : i32 to index
    %get3A_382 = arith.constant 0 : index
    %get3A_383 = tpu.vector_load %arg6[%get3A_380, %get3A_381, %get3A_382] {strides = array<i32>} : memref<2x4x128xf32, #tpu.memory_space<vmem>>, vector<1x1x16xf32>,
    %get3A_384 = vector.shape_cast %get3A_383 : vector<1x1x16xf32> to vector<16xf32>
    %add3A_385 = arith.addf %get3A_377, %get3A_384 : vector<16xf32>
    %get3A_386 = arith.constant 1 : i32
    %get3A_387 = arith.constant 2 : i32
    %get3A_388 = arith.index_cast %get3A_386 : i32 to index
    %get3A_389 = arith.index_cast %get3A_387 : i32 to index
    %get3A_390 = arith.constant 0 : index
    %get3A_391 = tpu.vector_load %arg6[%get3A_388, %get3A_389, %get3A_390] {strides = array<i32>} : memref<2x4x128xf32, #tpu.memory_space<vmem>>, vector<1x1x16xf32>,
    %get3A_392 = vector.shape_cast %get3A_391 : vector<1x1x16xf32> to vector<16xf32>
    %get3A_393 = arith.constant 1 : i32
    %get3A_394 = arith.constant 3 : i32
    %get3A_395 = arith.index_cast %get3A_393 : i32 to index
    %get3A_396 = arith.index_cast %get3A_394 : i32 to index
    %get3A_397 = arith.constant 0 : index
    %get3A_398 = tpu.vector_load %arg6[%get3A_395, %get3A_396, %get3A_397] {strides = array<i32>} : memref<2x4x128xf32, #tpu.memory_space<vmem>>, vector<1x1x16xf32>,
    %get3A_399 = vector.shape_cast %get3A_398 : vector<1x1x16xf32> to vector<16xf32>
    %add3A_400 = arith.addf %get3A_392, %get3A_399 : vector<16xf32>
    %add3A_401 = arith.addf %add3A_385, %add3A_400 : vector<16xf32>
    %mul3A_402 = arith.constant 2.500000e-01 : f32
    %mul3A_403 = vector.broadcast %mul3A_402 : f32 to vector<16xf32>
    %mul3A_404 = arith.mulf %add3A_401, %mul3A_403 : vector<16xf32>
    %swap3A_405 = arith.constant 1 : i32
    %swap3A_406 = arith.index_cast %swap3A_405 : i32 to index
    %swap3A_407 = arith.constant 0 : index
    %swap3A_408 = tpu.vector_load %arg7[%swap3A_406, %swap3A_407] {strides = array<i32>} : memref<2x128xf32, #tpu.memory_space<vmem>>, vector<1x16xf32>,
    %swap3A_409 = vector.shape_cast %swap3A_408 : vector<1x16xf32> to vector<16xf32>
    %swap3A_410 = vector.shape_cast %mul3A_404 : vector<16xf32> to vector<1x16xf32>
    tpu.vector_store %arg7[%swap3A_406, %swap3A_407], %swap3A_410 {strides = array<i32>} : memref<2x128xf32, #tpu.memory_space<vmem>>, vector<1x16xf32>,
    %get3A_411 = arith.constant 1 : i32
    %get3A_412 = arith.constant 0 : i32
    %get3A_413 = arith.index_cast %get3A_411 : i32 to index
    %get3A_414 = arith.index_cast %get3A_412 : i32 to index
    %get3A_415 = arith.constant 16 : index
    %get3A_416 = tpu.vector_load %arg6[%get3A_413, %get3A_414, %get3A_415] {strides = array<i32>} : memref<2x4x128xf32, #tpu.memory_space<vmem>>, vector<1x1x16xf32>,
    %get3A_417 = vector.shape_cast %get3A_416 : vector<1x1x16xf32> to vector<16xf32>
    %get3A_418 = arith.constant 1 : i32
    %get3A_419 = arith.constant 1 : i32
    %get3A_420 = arith.index_cast %get3A_418 : i32 to index
    %get3A_421 = arith.index_cast %get3A_419 : i32 to index
    %get3A_422 = arith.constant 16 : index
    %get3A_423 = tpu.vector_load %arg6[%get3A_420, %get3A_421, %get3A_422] {strides = array<i32>} : memref<2x4x128xf32, #tpu.memory_space<vmem>>, vector<1x1x16xf32>,
    %get3A_424 = vector.shape_cast %get3A_423 : vector<1x1x16xf32> to vector<16xf32>
    %add3A_425 = arith.addf %get3A_417, %get3A_424 : vector<16xf32>
    %get3A_426 = arith.constant 1 : i32
    %get3A_427 = arith.constant 2 : i32
    %get3A_428 = arith.index_cast %get3A_426 : i32 to index
    %get3A_429 = arith.index_cast %get3A_427 : i32 to index
    %get3A_430 = arith.constant 16 : index
    %get3A_431 = tpu.vector_load %arg6[%get3A_428, %get3A_429, %get3A_430] {strides = array<i32>} : memref<2x4x128xf32, #tpu.memory_space<vmem>>, vector<1x1x16xf32>,
    %get3A_432 = vector.shape_cast %get3A_431 : vector<1x1x16xf32> to vector<16xf32>
    %get3A_433 = arith.constant 1 : i32
    %get3A_434 = arith.constant 3 : i32
    %get3A_435 = arith.index_cast %get3A_433 : i32 to index
    %get3A_436 = arith.index_cast %get3A_434 : i32 to index
    %get3A_437 = arith.constant 16 : index
    %get3A_438 = tpu.vector_load %arg6[%get3A_435, %get3A_436, %get3A_437] {strides = array<i32>} : memref<2x4x128xf32, #tpu.memory_space<vmem>>, vector<1x1x16xf32>,
    %get3A_439 = vector.shape_cast %get3A_438 : vector<1x1x16xf32> to vector<16xf32>
    %add3A_440 = arith.addf %get3A_432, %get3A_439 : vector<16xf32>
    %add3A_441 = arith.addf %add3A_425, %add3A_440 : vector<16xf32>
    %mul3A_442 = arith.constant 2.500000e-01 : f32
    %mul3A_443 = vector.broadcast %mul3A_442 : f32 to vector<16xf32>
    %mul3A_444 = arith.mulf %add3A_441, %mul3A_443 : vector<16xf32>
    %swap3A_445 = arith.constant 1 : i32
    %swap3A_446 = arith.index_cast %swap3A_445 : i32 to index
    %swap3A_447 = arith.constant 16 : index
    %swap3A_448 = tpu.vector_load %arg7[%swap3A_446, %swap3A_447] {strides = array<i32>} : memref<2x128xf32, #tpu.memory_space<vmem>>, vector<1x16xf32>,
    %swap3A_449 = vector.shape_cast %swap3A_448 : vector<1x16xf32> to vector<16xf32>
    %swap3A_450 = vector.shape_cast %mul3A_444 : vector<16xf32> to vector<1x16xf32>
    tpu.vector_store %arg7[%swap3A_446, %swap3A_447], %swap3A_450 {strides = array<i32>} : memref<2x128xf32, #tpu.memory_space<vmem>>, vector<1x16xf32>,
    %get3A_451 = arith.constant 1 : i32
    %get3A_452 = arith.constant 0 : i32
    %get3A_453 = arith.index_cast %get3A_451 : i32 to index
    %get3A_454 = arith.index_cast %get3A_452 : i32 to index
    %get3A_455 = arith.constant 32 : index
    %get3A_456 = tpu.vector_load %arg6[%get3A_453, %get3A_454, %get3A_455] {strides = array<i32>} : memref<2x4x128xf32, #tpu.memory_space<vmem>>, vector<1x1x16xf32>,
    %get3A_457 = vector.shape_cast %get3A_456 : vector<1x1x16xf32> to vector<16xf32>
    %get3A_458 = arith.constant 1 : i32
    %get3A_459 = arith.constant 1 : i32
    %get3A_460 = arith.index_cast %get3A_458 : i32 to index
    %get3A_461 = arith.index_cast %get3A_459 : i32 to index
    %get3A_462 = arith.constant 32 : index
    %get3A_463 = tpu.vector_load %arg6[%get3A_460, %get3A_461, %get3A_462] {strides = array<i32>} : memref<2x4x128xf32, #tpu.memory_space<vmem>>, vector<1x1x16xf32>,
    %get3A_464 = vector.shape_cast %get3A_463 : vector<1x1x16xf32> to vector<16xf32>
    %add3A_465 = arith.addf %get3A_457, %get3A_464 : vector<16xf32>
    %get3A_466 = arith.constant 1 : i32
    %get3A_467 = arith.constant 2 : i32
    %get3A_468 = arith.index_cast %get3A_466 : i32 to index
    %get3A_469 = arith.index_cast %get3A_467 : i32 to index
    %get3A_470 = arith.constant 32 : index
    %get3A_471 = tpu.vector_load %arg6[%get3A_468, %get3A_469, %get3A_470] {strides = array<i32>} : memref<2x4x128xf32, #tpu.memory_space<vmem>>, vector<1x1x16xf32>,
    %get3A_472 = vector.shape_cast %get3A_471 : vector<1x1x16xf32> to vector<16xf32>
    %get3A_473 = arith.constant 1 : i32
    %get3A_474 = arith.constant 3 : i32
    %get3A_475 = arith.index_cast %get3A_473 : i32 to index
    %get3A_476 = arith.index_cast %get3A_474 : i32 to index
    %get3A_477 = arith.constant 32 : index
    %get3A_478 = tpu.vector_load %arg6[%get3A_475, %get3A_476, %get3A_477] {strides = array<i32>} : memref<2x4x128xf32, #tpu.memory_space<vmem>>, vector<1x1x16xf32>,
    %get3A_479 = vector.shape_cast %get3A_478 : vector<1x1x16xf32> to vector<16xf32>
    %add3A_480 = arith.addf %get3A_472, %get3A_479 : vector<16xf32>
    %add3A_481 = arith.addf %add3A_465, %add3A_480 : vector<16xf32>
    %mul3A_482 = arith.constant 2.500000e-01 : f32
    %mul3A_483 = vector.broadcast %mul3A_482 : f32 to vector<16xf32>
    %mul3A_484 = arith.mulf %add3A_481, %mul3A_483 : vector<16xf32>
    %swap3A_485 = arith.constant 1 : i32
    %swap3A_486 = arith.index_cast %swap3A_485 : i32 to index
    %swap3A_487 = arith.constant 32 : index
    %swap3A_488 = tpu.vector_load %arg7[%swap3A_486, %swap3A_487] {strides = array<i32>} : memref<2x128xf32, #tpu.memory_space<vmem>>, vector<1x16xf32>,
    %swap3A_489 = vector.shape_cast %swap3A_488 : vector<1x16xf32> to vector<16xf32>
    %swap3A_490 = vector.shape_cast %mul3A_484 : vector<16xf32> to vector<1x16xf32>
    tpu.vector_store %arg7[%swap3A_486, %swap3A_487], %swap3A_490 {strides = array<i32>} : memref<2x128xf32, #tpu.memory_space<vmem>>, vector<1x16xf32>,
    %get3A_491 = arith.constant 1 : i32
    %get3A_492 = arith.constant 0 : i32
    %get3A_493 = arith.index_cast %get3A_491 : i32 to index
    %get3A_494 = arith.index_cast %get3A_492 : i32 to index
    %get3A_495 = arith.constant 48 : index
    %get3A_496 = tpu.vector_load %arg6[%get3A_493, %get3A_494, %get3A_495] {strides = array<i32>} : memref<2x4x128xf32, #tpu.memory_space<vmem>>, vector<1x1x16xf32>,
    %get3A_497 = vector.shape_cast %get3A_496 : vector<1x1x16xf32> to vector<16xf32>
    %get3A_498 = arith.constant 1 : i32
    %get3A_499 = arith.constant 1 : i32
    %get3A_500 = arith.index_cast %get3A_498 : i32 to index
    %get3A_501 = arith.index_cast %get3A_499 : i32 to index
    %get3A_502 = arith.constant 48 : index
    %get3A_503 = tpu.vector_load %arg6[%get3A_500, %get3A_501, %get3A_502] {strides = array<i32>} : memref<2x4x128xf32, #tpu.memory_space<vmem>>, vector<1x1x16xf32>,
    %get3A_504 = vector.shape_cast %get3A_503 : vector<1x1x16xf32> to vector<16xf32>
    %add3A_505 = arith.addf %get3A_497, %get3A_504 : vector<16xf32>
    %get3A_506 = arith.constant 1 : i32
    %get3A_507 = arith.constant 2 : i32
    %get3A_508 = arith.index_cast %get3A_506 : i32 to index
    %get3A_509 = arith.index_cast %get3A_507 : i32 to index
    %get3A_510 = arith.constant 48 : index
    %get3A_511 = tpu.vector_load %arg6[%get3A_508, %get3A_509, %get3A_510] {strides = array<i32>} : memref<2x4x128xf32, #tpu.memory_space<vmem>>, vector<1x1x16xf32>,
    %get3A_512 = vector.shape_cast %get3A_511 : vector<1x1x16xf32> to vector<16xf32>
    %get3A_513 = arith.constant 1 : i32
    %get3A_514 = arith.constant 3 : i32
    %get3A_515 = arith.index_cast %get3A_513 : i32 to index
    %get3A_516 = arith.index_cast %get3A_514 : i32 to index
    %get3A_517 = arith.constant 48 : index
    %get3A_518 = tpu.vector_load %arg6[%get3A_515, %get3A_516, %get3A_517] {strides = array<i32>} : memref<2x4x128xf32, #tpu.memory_space<vmem>>, vector<1x1x16xf32>,
    %get3A_519 = vector.shape_cast %get3A_518 : vector<1x1x16xf32> to vector<16xf32>
    %add3A_520 = arith.addf %get3A_512, %get3A_519 : vector<16xf32>
    %add3A_521 = arith.addf %add3A_505, %add3A_520 : vector<16xf32>
    %mul3A_522 = arith.constant 2.500000e-01 : f32
    %mul3A_523 = vector.broadcast %mul3A_522 : f32 to vector<16xf32>
    %mul3A_524 = arith.mulf %add3A_521, %mul3A_523 : vector<16xf32>
    %swap3A_525 = arith.constant 1 : i32
    %swap3A_526 = arith.index_cast %swap3A_525 : i32 to index
    %swap3A_527 = arith.constant 48 : index
    %swap3A_528 = tpu.vector_load %arg7[%swap3A_526, %swap3A_527] {strides = array<i32>} : memref<2x128xf32, #tpu.memory_space<vmem>>, vector<1x16xf32>,
    %swap3A_529 = vector.shape_cast %swap3A_528 : vector<1x16xf32> to vector<16xf32>
    %swap3A_530 = vector.shape_cast %mul3A_524 : vector<16xf32> to vector<1x16xf32>
    tpu.vector_store %arg7[%swap3A_526, %swap3A_527], %swap3A_530 {strides = array<i32>} : memref<2x128xf32, #tpu.memory_space<vmem>>, vector<1x16xf32>,
    %get3A_531 = arith.constant 1 : i32
    %get3A_532 = arith.constant 0 : i32
    %get3A_533 = arith.index_cast %get3A_531 : i32 to index
    %get3A_534 = arith.index_cast %get3A_532 : i32 to index
    %get3A_535 = arith.constant 64 : index
    %get3A_536 = tpu.vector_load %arg6[%get3A_533, %get3A_534, %get3A_535] {strides = array<i32>} : memref<2x4x128xf32, #tpu.memory_space<vmem>>, vector<1x1x16xf32>,
    %get3A_537 = vector.shape_cast %get3A_536 : vector<1x1x16xf32> to vector<16xf32>
    %get3A_538 = arith.constant 1 : i32
    %get3A_539 = arith.constant 1 : i32
    %get3A_540 = arith.index_cast %get3A_538 : i32 to index
    %get3A_541 = arith.index_cast %get3A_539 : i32 to index
    %get3A_542 = arith.constant 64 : index
    %get3A_543 = tpu.vector_load %arg6[%get3A_540, %get3A_541, %get3A_542] {strides = array<i32>} : memref<2x4x128xf32, #tpu.memory_space<vmem>>, vector<1x1x16xf32>,
    %get3A_544 = vector.shape_cast %get3A_543 : vector<1x1x16xf32> to vector<16xf32>
    %add3A_545 = arith.addf %get3A_537, %get3A_544 : vector<16xf32>
    %get3A_546 = arith.constant 1 : i32
    %get3A_547 = arith.constant 2 : i32
    %get3A_548 = arith.index_cast %get3A_546 : i32 to index
    %get3A_549 = arith.index_cast %get3A_547 : i32 to index
    %get3A_550 = arith.constant 64 : index
    %get3A_551 = tpu.vector_load %arg6[%get3A_548, %get3A_549, %get3A_550] {strides = array<i32>} : memref<2x4x128xf32, #tpu.memory_space<vmem>>, vector<1x1x16xf32>,
    %get3A_552 = vector.shape_cast %get3A_551 : vector<1x1x16xf32> to vector<16xf32>
    %get3A_553 = arith.constant 1 : i32
    %get3A_554 = arith.constant 3 : i32
    %get3A_555 = arith.index_cast %get3A_553 : i32 to index
    %get3A_556 = arith.index_cast %get3A_554 : i32 to index
    %get3A_557 = arith.constant 64 : index
    %get3A_558 = tpu.vector_load %arg6[%get3A_555, %get3A_556, %get3A_557] {strides = array<i32>} : memref<2x4x128xf32, #tpu.memory_space<vmem>>, vector<1x1x16xf32>,
    %get3A_559 = vector.shape_cast %get3A_558 : vector<1x1x16xf32> to vector<16xf32>
    %add3A_560 = arith.addf %get3A_552, %get3A_559 : vector<16xf32>
    %add3A_561 = arith.addf %add3A_545, %add3A_560 : vector<16xf32>
    %mul3A_562 = arith.constant 2.500000e-01 : f32
    %mul3A_563 = vector.broadcast %mul3A_562 : f32 to vector<16xf32>
    %mul3A_564 = arith.mulf %add3A_561, %mul3A_563 : vector<16xf32>
    %swap3A_565 = arith.constant 1 : i32
    %swap3A_566 = arith.index_cast %swap3A_565 : i32 to index
    %swap3A_567 = arith.constant 64 : index
    %swap3A_568 = tpu.vector_load %arg7[%swap3A_566, %swap3A_567] {strides = array<i32>} : memref<2x128xf32, #tpu.memory_space<vmem>>, vector<1x16xf32>,
    %swap3A_569 = vector.shape_cast %swap3A_568 : vector<1x16xf32> to vector<16xf32>
    %swap3A_570 = vector.shape_cast %mul3A_564 : vector<16xf32> to vector<1x16xf32>
    tpu.vector_store %arg7[%swap3A_566, %swap3A_567], %swap3A_570 {strides = array<i32>} : memref<2x128xf32, #tpu.memory_space<vmem>>, vector<1x16xf32>,
    %get3A_571 = arith.constant 1 : i32
    %get3A_572 = arith.constant 0 : i32
    %get3A_573 = arith.index_cast %get3A_571 : i32 to index
    %get3A_574 = arith.index_cast %get3A_572 : i32 to index
    %get3A_575 = arith.constant 80 : index
    %get3A_576 = tpu.vector_load %arg6[%get3A_573, %get3A_574, %get3A_575] {strides = array<i32>} : memref<2x4x128xf32, #tpu.memory_space<vmem>>, vector<1x1x16xf32>,
    %get3A_577 = vector.shape_cast %get3A_576 : vector<1x1x16xf32> to vector<16xf32>
    %get3A_578 = arith.constant 1 : i32
    %get3A_579 = arith.constant 1 : i32
    %get3A_580 = arith.index_cast %get3A_578 : i32 to index
    %get3A_581 = arith.index_cast %get3A_579 : i32 to index
    %get3A_582 = arith.constant 80 : index
    %get3A_583 = tpu.vector_load %arg6[%get3A_580, %get3A_581, %get3A_582] {strides = array<i32>} : memref<2x4x128xf32, #tpu.memory_space<vmem>>, vector<1x1x16xf32>,
    %get3A_584 = vector.shape_cast %get3A_583 : vector<1x1x16xf32> to vector<16xf32>
    %add3A_585 = arith.addf %get3A_577, %get3A_584 : vector<16xf32>
    %get3A_586 = arith.constant 1 : i32
    %get3A_587 = arith.constant 2 : i32
    %get3A_588 = arith.index_cast %get3A_586 : i32 to index
    %get3A_589 = arith.index_cast %get3A_587 : i32 to index
    %get3A_590 = arith.constant 80 : index
    %get3A_591 = tpu.vector_load %arg6[%get3A_588, %get3A_589, %get3A_590] {strides = array<i32>} : memref<2x4x128xf32, #tpu.memory_space<vmem>>, vector<1x1x16xf32>,
    %get3A_592 = vector.shape_cast %get3A_591 : vector<1x1x16xf32> to vector<16xf32>
    %get3A_593 = arith.constant 1 : i32
    %get3A_594 = arith.constant 3 : i32
    %get3A_595 = arith.index_cast %get3A_593 : i32 to index
    %get3A_596 = arith.index_cast %get3A_594 : i32 to index
    %get3A_597 = arith.constant 80 : index
    %get3A_598 = tpu.vector_load %arg6[%get3A_595, %get3A_596, %get3A_597] {strides = array<i32>} : memref<2x4x128xf32, #tpu.memory_space<vmem>>, vector<1x1x16xf32>,
    %get3A_599 = vector.shape_cast %get3A_598 : vector<1x1x16xf32> to vector<16xf32>
    %add3A_600 = arith.addf %get3A_592, %get3A_599 : vector<16xf32>
    %add3A_601 = arith.addf %add3A_585, %add3A_600 : vector<16xf32>
    %mul3A_602 = arith.constant 2.500000e-01 : f32
    %mul3A_603 = vector.broadcast %mul3A_602 : f32 to vector<16xf32>
    %mul3A_604 = arith.mulf %add3A_601, %mul3A_603 : vector<16xf32>
    %swap3A_605 = arith.constant 1 : i32
    %swap3A_606 = arith.index_cast %swap3A_605 : i32 to index
    %swap3A_607 = arith.constant 80 : index
    %swap3A_608 = tpu.vector_load %arg7[%swap3A_606, %swap3A_607] {strides = array<i32>} : memref<2x128xf32, #tpu.memory_space<vmem>>, vector<1x16xf32>,
    %swap3A_609 = vector.shape_cast %swap3A_608 : vector<1x16xf32> to vector<16xf32>
    %swap3A_610 = vector.shape_cast %mul3A_604 : vector<16xf32> to vector<1x16xf32>
    tpu.vector_store %arg7[%swap3A_606, %swap3A_607], %swap3A_610 {strides = array<i32>} : memref<2x128xf32, #tpu.memory_space<vmem>>, vector<1x16xf32>,
    %get3A_611 = arith.constant 1 : i32
    %get3A_612 = arith.constant 0 : i32
    %get3A_613 = arith.index_cast %get3A_611 : i32 to index
    %get3A_614 = arith.index_cast %get3A_612 : i32 to index
    %get3A_615 = arith.constant 96 : index
    %get3A_616 = tpu.vector_load %arg6[%get3A_613, %get3A_614, %get3A_615] {strides = array<i32>} : memref<2x4x128xf32, #tpu.memory_space<vmem>>, vector<1x1x16xf32>,
    %get3A_617 = vector.shape_cast %get3A_616 : vector<1x1x16xf32> to vector<16xf32>
    %get3A_618 = arith.constant 1 : i32
    %get3A_619 = arith.constant 1 : i32
    %get3A_620 = arith.index_cast %get3A_618 : i32 to index
    %get3A_621 = arith.index_cast %get3A_619 : i32 to index
    %get3A_622 = arith.constant 96 : index
    %get3A_623 = tpu.vector_load %arg6[%get3A_620, %get3A_621, %get3A_622] {strides = array<i32>} : memref<2x4x128xf32, #tpu.memory_space<vmem>>, vector<1x1x16xf32>,
    %get3A_624 = vector.shape_cast %get3A_623 : vector<1x1x16xf32> to vector<16xf32>
    %add3A_625 = arith.addf %get3A_617, %get3A_624 : vector<16xf32>
    %get3A_626 = arith.constant 1 : i32
    %get3A_627 = arith.constant 2 : i32
    %get3A_628 = arith.index_cast %get3A_626 : i32 to index
    %get3A_629 = arith.index_cast %get3A_627 : i32 to index
    %get3A_630 = arith.constant 96 : index
    %get3A_631 = tpu.vector_load %arg6[%get3A_628, %get3A_629, %get3A_630] {strides = array<i32>} : memref<2x4x128xf32, #tpu.memory_space<vmem>>, vector<1x1x16xf32>,
    %get3A_632 = vector.shape_cast %get3A_631 : vector<1x1x16xf32> to vector<16xf32>
    %get3A_633 = arith.constant 1 : i32
    %get3A_634 = arith.constant 3 : i32
    %get3A_635 = arith.index_cast %get3A_633 : i32 to index
    %get3A_636 = arith.index_cast %get3A_634 : i32 to index
    %get3A_637 = arith.constant 96 : index
    %get3A_638 = tpu.vector_load %arg6[%get3A_635, %get3A_636, %get3A_637] {strides = array<i32>} : memref<2x4x128xf32, #tpu.memory_space<vmem>>, vector<1x1x16xf32>,
    %get3A_639 = vector.shape_cast %get3A_638 : vector<1x1x16xf32> to vector<16xf32>
    %add3A_640 = arith.addf %get3A_632, %get3A_639 : vector<16xf32>
    %add3A_641 = arith.addf %add3A_625, %add3A_640 : vector<16xf32>
    %mul3A_642 = arith.constant 2.500000e-01 : f32
    %mul3A_643 = vector.broadcast %mul3A_642 : f32 to vector<16xf32>
    %mul3A_644 = arith.mulf %add3A_641, %mul3A_643 : vector<16xf32>
    %swap3A_645 = arith.constant 1 : i32
    %swap3A_646 = arith.index_cast %swap3A_645 : i32 to index
    %swap3A_647 = arith.constant 96 : index
    %swap3A_648 = tpu.vector_load %arg7[%swap3A_646, %swap3A_647] {strides = array<i32>} : memref<2x128xf32, #tpu.memory_space<vmem>>, vector<1x16xf32>,
    %swap3A_649 = vector.shape_cast %swap3A_648 : vector<1x16xf32> to vector<16xf32>
    %swap3A_650 = vector.shape_cast %mul3A_644 : vector<16xf32> to vector<1x16xf32>
    tpu.vector_store %arg7[%swap3A_646, %swap3A_647], %swap3A_650 {strides = array<i32>} : memref<2x128xf32, #tpu.memory_space<vmem>>, vector<1x16xf32>,
    %get3A_651 = arith.constant 1 : i32
    %get3A_652 = arith.constant 0 : i32
    %get3A_653 = arith.index_cast %get3A_651 : i32 to index
    %get3A_654 = arith.index_cast %get3A_652 : i32 to index
    %get3A_655 = arith.constant 112 : index
    %get3A_656 = tpu.vector_load %arg6[%get3A_653, %get3A_654, %get3A_655] {strides = array<i32>} : memref<2x4x128xf32, #tpu.memory_space<vmem>>, vector<1x1x16xf32>,
    %get3A_657 = vector.shape_cast %get3A_656 : vector<1x1x16xf32> to vector<16xf32>
    %get3A_658 = arith.constant 1 : i32
    %get3A_659 = arith.constant 1 : i32
    %get3A_660 = arith.index_cast %get3A_658 : i32 to index
    %get3A_661 = arith.index_cast %get3A_659 : i32 to index
    %get3A_662 = arith.constant 112 : index
    %get3A_663 = tpu.vector_load %arg6[%get3A_660, %get3A_661, %get3A_662] {strides = array<i32>} : memref<2x4x128xf32, #tpu.memory_space<vmem>>, vector<1x1x16xf32>,
    %get3A_664 = vector.shape_cast %get3A_663 : vector<1x1x16xf32> to vector<16xf32>
    %add3A_665 = arith.addf %get3A_657, %get3A_664 : vector<16xf32>
    %get3A_666 = arith.constant 1 : i32
    %get3A_667 = arith.constant 2 : i32
    %get3A_668 = arith.index_cast %get3A_666 : i32 to index
    %get3A_669 = arith.index_cast %get3A_667 : i32 to index
    %get3A_670 = arith.constant 112 : index
    %get3A_671 = tpu.vector_load %arg6[%get3A_668, %get3A_669, %get3A_670] {strides = array<i32>} : memref<2x4x128xf32, #tpu.memory_space<vmem>>, vector<1x1x16xf32>,
    %get3A_672 = vector.shape_cast %get3A_671 : vector<1x1x16xf32> to vector<16xf32>
    %get3A_673 = arith.constant 1 : i32
    %get3A_674 = arith.constant 3 : i32
    %get3A_675 = arith.index_cast %get3A_673 : i32 to index
    %get3A_676 = arith.index_cast %get3A_674 : i32 to index
    %get3A_677 = arith.constant 112 : index
    %get3A_678 = tpu.vector_load %arg6[%get3A_675, %get3A_676, %get3A_677] {strides = array<i32>} : memref<2x4x128xf32, #tpu.memory_space<vmem>>, vector<1x1x16xf32>,
    %get3A_679 = vector.shape_cast %get3A_678 : vector<1x1x16xf32> to vector<16xf32>
    %add3A_680 = arith.addf %get3A_672, %get3A_679 : vector<16xf32>
    %add3A_681 = arith.addf %add3A_665, %add3A_680 : vector<16xf32>
    %mul3A_682 = arith.constant 2.500000e-01 : f32
    %mul3A_683 = vector.broadcast %mul3A_682 : f32 to vector<16xf32>
    %mul3A_684 = arith.mulf %add3A_681, %mul3A_683 : vector<16xf32>
    %swap3A_685 = arith.constant 1 : i32
    %swap3A_686 = arith.index_cast %swap3A_685 : i32 to index
    %swap3A_687 = arith.constant 112 : index
    %swap3A_688 = tpu.vector_load %arg7[%swap3A_686, %swap3A_687] {strides = array<i32>} : memref<2x128xf32, #tpu.memory_space<vmem>>, vector<1x16xf32>,
    %swap3A_689 = vector.shape_cast %swap3A_688 : vector<1x16xf32> to vector<16xf32>
    %swap3A_690 = vector.shape_cast %mul3A_684 : vector<16xf32> to vector<1x16xf32>
    tpu.vector_store %arg7[%swap3A_686, %swap3A_687], %swap3A_690 {strides = array<i32>} : memref<2x128xf32, #tpu.memory_space<vmem>>, vector<1x16xf32>,
    "tpu.region"() ({
      %run_scoped3A = tpu.sem_alloc : memref<!tpu.dma_semaphore, #tpu.memory_space<semaphore_mem>>
      %dma_start3A_691 = arith.constant 0 : i32
      %dma_start3A_692 = arith.constant 0 : i32
      %dma_start3A_693 = tpu.memref_slice %arg4[%add3A, %dma_start3A_691, %dma_start3A_692] : memref<32x2x128xf32, #tpu.memory_space<hbm>> -> memref<1x2x128xf32, #tpu.memory_space<hbm>>
      %dma_start3A_694 = tpu.memref_squeeze %dma_start3A_693 : memref<1x2x128xf32, #tpu.memory_space<hbm>> -> memref<2x128xf32, #tpu.memory_space<hbm>>
      %dma_start3A_695 = arith.constant 0 : i32
      %dma_start3A_696 = arith.constant 0 : i32
      %dma_start3A_697 = tpu.memref_slice %arg4[%add3A, %dma_start3A_695, %dma_start3A_696] : memref<32x2x128xf32, #tpu.memory_space<hbm>> -> memref<1x2x128xf32, #tpu.memory_space<hbm>>
      %dma_start3A_698 = tpu.memref_squeeze %dma_start3A_697 : memref<1x2x128xf32, #tpu.memory_space<hbm>> -> memref<2x128xf32, #tpu.memory_space<hbm>>
      tpu.enqueue_dma source(%arg7 : memref<2x128xf32, #tpu.memory_space<vmem>>) target(%dma_start3A_698 : memref<2x128xf32, #tpu.memory_space<hbm>>) target_semaphore(%run_scoped3A : memref<!tpu.dma_semaphore, #tpu.memory_space<semaphore_mem>>)
      %dma_wait3A_699 = arith.constant 0 : i32
      %dma_wait3A_700 = arith.constant 0 : i32
      %dma_wait3A_701 = tpu.memref_slice %arg4[%add3A, %dma_wait3A_699, %dma_wait3A_700] : memref<32x2x128xf32, #tpu.memory_space<hbm>> -> memref<1x2x128xf32, #tpu.memory_space<hbm>>
      %dma_wait3A_702 = tpu.memref_squeeze %dma_wait3A_701 : memref<1x2x128xf32, #tpu.memory_space<hbm>> -> memref<2x128xf32, #tpu.memory_space<hbm>>
      %dma_wait3A_703 = arith.constant 0 : i32
      %dma_wait3A_704 = arith.constant 0 : i32
      %dma_wait3A_705 = tpu.memref_slice %arg4[%add3A, %dma_wait3A_703, %dma_wait3A_704] : memref<32x2x128xf32, #tpu.memory_space<hbm>> -> memref<1x2x128xf32, #tpu.memory_space<hbm>>
      %dma_wait3A_706 = tpu.memref_squeeze %dma_wait3A_705 : memref<1x2x128xf32, #tpu.memory_space<hbm>> -> memref<2x128xf32, #tpu.memory_space<hbm>>
      tpu.wait_dma2 semaphore(%run_scoped3A : memref<!tpu.dma_semaphore, #tpu.memory_space<semaphore_mem>>) src(%arg7 : memref<2x128xf32, #tpu.memory_space<vmem>>) dst(%dma_wait3A_706 : memref<2x128xf32, #tpu.memory_space<hbm>>)
      tpu.yield
    }) : () -> ()
    return
  }
}

module attributes {stable_mosaic.version = 14 : i64} {
  func.func @_sample_body(%arg0: i32, %arg1: memref<1x1x128xf32, #tpu.memory_space<vmem>>, %arg2: memref<1x8192x128xf32, #tpu.memory_space<vmem>>, %arg3: memref<1x4x8192xf32, #tpu.memory_space<vmem>>, %arg4: memref<1x1x4xi32, #tpu.memory_space<vmem>>) attributes {dimension_semantics = [#tpu.dimension_semantics<arbitrary>], iteration_bounds = array<i64: 64>, scalar_prefetch = 0 : i64, scratch_operands = 0 : i64, tpu.core_type = #tpu.core_type<tc>, window_params = [{transform_indices = @transform_0, window_bounds = array<i64: 1, 1, 128>}, {transform_indices = @transform_1, window_bounds = array<i64: 1, 8192, 128>}, {transform_indices = @transform_2, window_bounds = array<i64: 1, 4, 8192>}, {transform_indices = @transform_3, window_bounds = array<i64: 1, 1, 4>}]} {
    %get3A = arith.constant 0 : index
    %get3A_0 = arith.constant 0 : index
    %get3A_1 = arith.constant 0 : index
    %get3A_2 = vector.load %arg1[%get3A, %get3A_0, %get3A_1] : memref<1x1x128xf32, #tpu.memory_space<vmem>>, vector<1x1x128xf32>
    %get3A_3 = vector.shape_cast %get3A_2 : vector<1x1x128xf32> to vector<1x128xf32>
    %get3A_4 = arith.constant 0 : index
    %get3A_5 = arith.constant 0 : index
    %get3A_6 = arith.constant 0 : index
    %get3A_7 = vector.load %arg2[%get3A_4, %get3A_5, %get3A_6] : memref<1x8192x128xf32, #tpu.memory_space<vmem>>, vector<1x8192x128xf32>
    %get3A_8 = vector.shape_cast %get3A_7 : vector<1x8192x128xf32> to vector<8192x128xf32>
    %dot_general3A = arith.constant dense<0.000000e+00> : vector<1x8192xf32>
    %dot_general3A_9 = tpu.matmul %get3A_3, %get3A_8, %dot_general3A {dimension_numbers = #tpu.dot_dimension_numbers<[1], [1], [0], [0], [0, 0, 1, 0], [], []>, transpose_lhs_hint = false} : vector<1x128xf32>, vector<8192x128xf32>, vector<1x8192xf32> -> vector<1x8192xf32>
    %div3A = arith.constant 11.3137083 : f32
    %div3A_10 = vector.broadcast %div3A : f32 to vector<1x8192xf32>
    %div3A_11 = arith.divf %dot_general3A_9, %div3A_10 : vector<1x8192xf32>
    %get3A_12 = arith.constant 0 : index
    %get3A_13 = arith.constant 0 : index
    %get3A_14 = arith.constant 0 : index
    %get3A_15 = vector.load %arg3[%get3A_12, %get3A_13, %get3A_14] : memref<1x4x8192xf32, #tpu.memory_space<vmem>>, vector<1x4x8192xf32>
    %get3A_16 = vector.shape_cast %get3A_15 : vector<1x4x8192xf32> to vector<4x8192xf32>
    %log3A = math.log %get3A_16 : vector<4x8192xf32>
    %neg3A = arith.constant 0.000000e+00 : f32
    %neg3A_17 = vector.broadcast %neg3A : f32 to vector<4x8192xf32>
    %neg3A_18 = arith.subf %neg3A_17, %log3A : vector<4x8192xf32>
    %log3A_19 = math.log %neg3A_18 : vector<4x8192xf32>
    %neg3A_20 = arith.constant 0.000000e+00 : f32
    %neg3A_21 = vector.broadcast %neg3A_20 : f32 to vector<4x8192xf32>
    %neg3A_22 = arith.subf %neg3A_21, %log3A_19 : vector<4x8192xf32>
    %add3A = vector.broadcast %div3A_11 : vector<1x8192xf32> to vector<4x8192xf32>
    %add3A_23 = arith.addf %neg3A_22, %add3A : vector<4x8192xf32>
    %reduce_max3A = arith.constant dense<0xFF800000> : vector<4xf32>
    %reduce_max3A_24 = vector.multi_reduction <maximumf>, %add3A_23, %reduce_max3A [1] : vector<4x8192xf32> to vector<4xf32>
    %broadcast_in_dim3A = vector.shape_cast %reduce_max3A_24 : vector<4xf32> to vector<4x1xf32>
    %iota3A = tpu.iota {dimensions = array<i32: 1>} : vector<4x8192xi32>
    %eq3A = vector.broadcast %broadcast_in_dim3A : vector<4x1xf32> to vector<4x8192xf32>
    %eq3A_25 = arith.cmpf oeq, %add3A_23, %eq3A : vector<4x8192xf32>
    %jit3A = arith.constant 8192 : i32
    %broadcast_in_dim3A_26 = vector.broadcast %jit3A : i32 to vector<4x8192xi32>
    %select_n3A = arith.select %eq3A_25, %iota3A, %broadcast_in_dim3A_26 : vector<4x8192xi1>, vector<4x8192xi32>
    %reduce_min3A = arith.constant dense<2147483647> : vector<4xi32>
    %reduce_min3A_27 = vector.multi_reduction <minsi>, %select_n3A, %reduce_min3A [1] : vector<4x8192xi32> to vector<4xi32>
    %mul3A = arith.constant 8192 : i32
    %mul3A_28 = arith.muli %arg0, %mul3A : i32
    %add3A_29 = vector.broadcast %mul3A_28 : i32 to vector<4xi32>
    %add3A_30 = arith.addi %add3A_29, %reduce_min3A_27 : vector<4xi32>
    %swap3A = arith.constant 0 : index
    %swap3A_31 = arith.constant 0 : index
    %swap3A_32 = arith.constant 0 : index
    %swap3A_33 = vector.load %arg4[%swap3A, %swap3A_31, %swap3A_32] : memref<1x1x4xi32, #tpu.memory_space<vmem>>, vector<1x1x4xi32>
    %swap3A_34 = vector.shape_cast %swap3A_33 : vector<1x1x4xi32> to vector<4xi32>
    %swap3A_35 = vector.shape_cast %add3A_30 : vector<4xi32> to vector<1x1x4xi32>
    tpu.vector_store %arg4[%swap3A, %swap3A_31, %swap3A_32], %swap3A_35 {strides = array<i32>} : memref<1x1x4xi32, #tpu.memory_space<vmem>>, vector<1x1x4xi32>,
    return
  }
  func.func @transform_0(%arg0: i32) -> (i32, i32, i32) {
    %c0_i32 = arith.constant 0 : i32
    %c0_i32_0 = arith.constant 0 : i32
    %c0_i32_1 = arith.constant 0 : i32
    return %arg0, %c0_i32, %c0_i32_0 : i32, i32, i32
  }
  func.func @transform_1(%arg0: i32) -> (i32, i32, i32) {
    %c0_i32 = arith.constant 0 : i32
    %c0_i32_0 = arith.constant 0 : i32
    %c0_i32_1 = arith.constant 0 : i32
    return %arg0, %c0_i32, %c0_i32_0 : i32, i32, i32
  }
  func.func @transform_2(%arg0: i32) -> (i32, i32, i32) {
    %c0_i32 = arith.constant 0 : i32
    %c0_i32_0 = arith.constant 0 : i32
    %c0_i32_1 = arith.constant 0 : i32
    return %arg0, %c0_i32, %c0_i32_0 : i32, i32, i32
  }
  func.func @transform_3(%arg0: i32) -> (i32, i32, i32) {
    %c0_i32 = arith.constant 0 : i32
    %c0_i32_0 = arith.constant 0 : i32
    %c0_i32_1 = arith.constant 0 : i32
    return %arg0, %c0_i32, %c0_i32_0 : i32, i32, i32
  }
}

</mosaic_0001>

<sc_bundles>
// kernel: kernel.4.cloned.1.call-start
scs
__scs_entry_jumppad:
0x0: {  	(pc) =	sbr.rel $0x88, $3  }
0x1: {  	(tag) =	ssettag $0x0;
	lr =	simm.s32 $0x1  }
0x2: {  	[smem:$0x3F9E] =	sst lr;
	_ =	strace $0xD0000000  }
0x3: {  	_ = 	snop  }
0x4: {  	_ = 	snop  }
0x5: {  	_ = 	snop  }
0x6: {  	_ = 	snop  }
0x7: {  	_ = 	snop  }
__scs_overlays_trampoline_lowered:
0x8: {  	[smem:$0x3FAD] =	sst s0  }
0x9: {  	[smem:$0x3FAE] =	sst s1  }
0xa: {  	[smem:$0x3FAF] =	sst s2  }
0xb: {  	[smem:$0x3FB0] =	sst s3  }
0xc: {  	[smem:$0x3FB1] =	sst s4  }
0xd: {  	[smem:$0x3FB2] =	sst s5  }
0xe: {  	[smem:$0x3FB3] =	sst s6  }
0xf: {  	[smem:$0x3FB4] =	sst s7  }
0x10: {  	[smem:$0x3FB5] =	sst s8  }
0x11: {  	[smem:$0x3FB6] =	sst s9;
	s0 =	simm.s32 @!p0 $0x0  }
0x12: {  	s1 =	sld [smem:$0x3F9C];
	s0 =	simm.s32 @p0 $0x1  }
0x13: {  	[smem:$0x3FB7] =	sst s0;
	s0 =	simm.s32 @!p1 $0x0  }
0x14: {  	s2 =	sld [smem:$0x3F9B];
	s0 =	simm.s32 @p1 $0x1  }
0x15: {  	[smem:$0x3FB8] =	sst s0;
	s0 =	simm.s32 @!p2 $0x0  }
0x16: {  	s3 =	sld [smem:$0x3FDB];
	s0 =	simm.s32 @p2 $0x1  }
0x17: {  	s4 =	simm.s32 $0x1BF5;
	[smem:$0x3FBA] =	sst s0  }
0x18: {  	s0 =	sld [smem:$0x3F9D];
	_ =	swait.ge [sflag:s4], $0x0  }
0x19: {  	s7 =	sld [smem:$0x3F9E]  }
0x1a: {  	s8 =	sadd.s32 $0xFFFFE003, lr  }
0x1b: {  	s9 =	sadd.s32 $0xFFFFFEF7, lr;
	s5 =	simm.s32 $0xFFFFFFFF;
	p2 =	slt.u32 s8, $0xFFFFF086  }
0x1c: {  	p1 =	slt.u32 s9, $0xF7A;
	s5 =	simm.s32 @!p2 $0x0  }
0x1d: {  	s5 =	simm.s32 @p1 $0x1;
	p0 =	seq.s32 s7, s2  }
0x1e: {  	s7 =	smul.u32 @!p0 $0xF7A, s2;
	p2 =	seq.s32 @!p0 s5, $0x0  }
0x1f: {  	s9 =	smul.u32 $0xF7A, s1;
	s8 =	simm.s32 @!p0 $0x1BF5;
	p2 =	por !p2, p0  }
0x20: {  	[sflag:s8] =	ssyncset.s32 @!p0 $0xFFFFF086;
	s6 =	sadd.s32 @!p0 s3, s7;
	s7 =	simm.s32 @!p0 $0x108  }
0x21: {  	s3 =	sadd.s32 s3, s9;
	s6 =	sadd.s32 @!p0 $0x88, s6;
	s7 =	simm.s32 @p2 $0x1082  }
0x22: {  	[simem:s7], [sflag:s8] =	dma.local @!p0 [hbm:s6], $0xF7A  }
0x23: {  	s9 =	sor.u32 $0xD0000000, s2;
	s6 =	simm.s32 $0x108;
	_ =	swait.ge @!p0 [sflag:s8], $0x0  }
0x24: {  	s3 =	sadd.s32 $0x88, s3;
	s6 =	simm.s32 @!p1 $0x1082;
	[sflag:s4] =	ssyncset.s32 $0xFFFFF086  }
0x25: {  	[simem:s6], [sflag:s4] =	dma.local [hbm:s3], $0xF7A  }
0x26: {  	[smem:$0x3F9E] =	sst s1;
	(tag) =	ssettag s2;
	_ =	strace s9  }
0x27: {  	s1 =	sld [smem:$0x3FAE]  }
0x28: {  	s2 =	sld [smem:$0x3FAF]  }
0x29: {  	s4 =	sld [smem:$0x3FB1]  }
0x2a: {  	p0 =	seq.s32 s5, $0x0;
	s5 =	sld [smem:$0x3FB2]  }
0x2b: {  	s6 =	sld [smem:$0x3FB3]  }
0x2c: {  	s7 =	sld [smem:$0x3FB4]  }
0x2d: {  	s3 =	simm.s32 $0x108;
	s8 =	sld [smem:$0x3FB5]  }
0x2e: {  	s3 =	simm.s32 @!p0 $0x1082;
	s9 =	sld [smem:$0x3FB6]  }
0x2f: {  	lr =	sadd.s32 s0, s3;
	s0 =	sld [smem:$0x3FAD]  }
0x30: {  	s3 =	sld [smem:$0x3FB0]  }
0x31: {  	[smem:$0x3FB9] =	sst s10  }
0x32: {  	s10 =	sld [smem:$0x3FB7];
	_ =	sdelay $0x3  }
0x33: {  	p0 =	seq.s32 s10, $0x1;
	s10 =	sld [smem:$0x3FB9];
	_ =	sdelay $0x3  }
0x34: {  	[smem:$0x3FB9] =	sst s10  }
0x35: {  	s10 =	sld [smem:$0x3FB8];
	_ =	sdelay $0x3  }
0x36: {  	p1 =	seq.s32 s10, $0x1;
	s10 =	sld [smem:$0x3FB9];
	_ =	sdelay $0x3  }
0x37: {  	[smem:$0x3FB9] =	sst s10  }
0x38: {  	s10 =	sld [smem:$0x3FBA]  }
0x39: {  	_ = 	snop;
	(pc) =	sbr.ind lr, $3  }
0x3a: {  	_ = 	snop  }
0x3b: {  	_ = 	snop  }
0x3c: {  	p2 =	seq.s32 s10, $0x1;
	s10 =	sld [smem:$0x3FB9]  }
0x3d: {  	_ =	shalt  }
0x3e: {  	_ =	shalt  }
0x3f: {  	_ =	shalt  }
0x40: {  	_ =	shalt  }
0x41: {  	_ =	shalt  }
0x42: {  	_ =	shalt  }
0x43: {  	_ =	shalt  }
0x44: {  	_ =	shalt  }
0x45: {  	_ =	shalt  }
0x46: {  	_ =	shalt  }
0x47: {  	_ =	shalt  }
0x48: {  	_ =	shalt  }
0x49: {  	_ =	shalt  }
0x4a: {  	_ =	shalt  }
0x4b: {  	_ =	shalt  }
0x4c: {  	_ =	shalt  }
0x4d: {  	_ =	shalt  }
0x4e: {  	_ =	shalt  }
0x4f: {  	_ =	shalt  }
0x50: {  	_ =	shalt  }
0x51: {  	_ =	shalt  }
0x52: {  	_ =	shalt  }
0x53: {  	_ =	shalt  }
0x54: {  	_ =	shalt  }
0x55: {  	_ =	shalt  }
0x56: {  	_ =	shalt  }
0x57: {  	_ =	shalt  }
0x58: {  	_ =	shalt  }
0x59: {  	_ =	shalt  }
0x5a: {  	_ =	shalt  }
0x5b: {  	_ =	shalt  }
0x5c: {  	_ =	shalt  }
0x5d: {  	_ =	shalt  }
0x5e: {  	_ =	shalt  }
0x5f: {  	_ =	shalt  }
0x60: {  	_ =	shalt  }
0x61: {  	_ =	shalt  }
0x62: {  	_ =	shalt  }
0x63: {  	_ =	shalt  }
0x64: {  	_ =	shalt  }
0x65: {  	_ =	shalt  }
0x66: {  	_ =	shalt  }
0x67: {  	_ =	shalt  }
0x68: {  	_ =	shalt  }
0x69: {  	_ =	shalt  }
0x6a: {  	_ =	shalt  }
0x6b: {  	_ =	shalt  }
0x6c: {  	_ =	shalt  }
0x6d: {  	_ =	shalt  }
0x6e: {  	_ =	shalt  }
0x6f: {  	_ =	shalt  }
0x70: {  	_ =	shalt  }
0x71: {  	_ =	shalt  }
0x72: {  	_ =	shalt  }
0x73: {  	_ =	shalt  }
0x74: {  	_ =	shalt  }
0x75: {  	_ =	shalt  }
0x76: {  	_ =	shalt  }
0x77: {  	_ =	shalt  }
0x78: {  	_ =	shalt  }
0x79: {  	_ =	shalt  }
0x7a: {  	_ =	shalt  }
0x7b: {  	_ =	shalt  }
0x7c: {  	_ =	shalt  }
0x7d: {  	_ =	shalt  }
0x7e: {  	_ =	shalt  }
0x7f: {  	_ =	shalt  }
0x80: {  	_ =	shalt  }
0x81: {  	_ =	shalt  }
0x82: {  	_ =	shalt  }
0x83: {  	_ =	shalt  }
0x84: {  	_ =	shalt  }
0x85: {  	_ =	shalt  }
0x86: {  	_ =	shalt  }
0x87: {  	_ =	shalt  }
.Lfunc_end0:
.L_simem_size_0:
called_computation_lowered:
.L_overlay_start_0:
0x88: {  	s2 =	sld [smem:$0x3FD9]  }
0x89: {  	s3 =	sld [smem:$0x3FFE];
	_ =	sdelay $0x1  }
0x8a: {  	s1 =	srdreg.scid  }
0x8b: {  	s0 =	sand.u32 $0x1, s1  }
0x8c: {  	s17 =	sshll.u32 s0, $0xA;
	s2 =	sadd.s32 s3, s2  }
0x8d: {  	s2 =	sadd.s32 s2, s17  }
0x8e: {  	[smem:$0x3FC5] =	sst s2  }
0x8f: {  	_ = 	snop  }
0x90: {  	s2 =	sld [smem:$0x3FC7]  }
0x91: {  	s18 =	sld [smem:$0x3FD0];
	(tm) =	ssettm $0x1  }
0x92: {  	s4 =	sld [smem:$0x3FFB];
	_ =	sdelay $0x3  }
0x93: {  	_ =	strace s4  }
0x94: {  	s4 =	sld [smem:$0x3FFC];
	_ =	sdelay $0x3  }
0x95: {  	_ =	strace s4  }
0x96: {  	s4 =	sld [smem:$0x3FFD];
	_ =	sdelay $0x3  }
0x97: {  	_ =	strace s4  }
0x98: {  	_ =	strace $0x8FFFFFFF  }
0x99: {  	s19 =	sld [smem:$0x3FDB];
	_ =	sdelay $0x1  }
0x9a: {  	s5 =	simm.s32 $_scs_section_size  }
0x9b: {  	s6 =	simm.s32 $_size__tile_overlayer_lowered;
	s7 =	simm.s32 $_tile_overlayer_lowered  }
0x9c: {  	s22 =	simm.s32 $0x1BFF;
	s21 =	sshll.u32 s7, $0x1;
	s4 =	sadd.s32 s5, s19  }
0x9d: {  	s8 =	simm.s32 $0x0;
	s20 =	sshll.u32 s6, $0x1;
	s6 =	sadd.s32 s21, s4  }
0x9e: {  	[timem:s8], [sflag:s22] =	dma.local [hbm:s6], s20  }
0x9f: {  	_ =	swait.ge [sflag:s22], s20  }
0xa0: {  	s5 =	ssub.s32 $0x0, s20;
	[sflag:s22] =	ssyncset.done $0x0  }
0xa1: {  	[sflag:s22] =	ssyncadd.s32 s5;
	_ =	sdelay $0x1  }
0xa2: {  	s23 =	simm.s32 $0x1B8B  }
0xa3: {  	_ =	swait.ge [sflag:s23], $0x1  }
0xa4: {  	[sflag:s23] =	ssyncset.done $0x0  }
0xa5: {  	s25 =	simm.s32 $0x1B8E;
	s24 =	sld [smem:$0x3FFE];
	[sflag:s23] =	ssyncadd.s32 $0xFFFFFFFF  }
0xa6: {  	s26 =	simm.s32 $execute0_lowered;
	[smem:$0x3FD2] =	sst s25  }
0xa7: {  	s6 =	sshll.u32 s26, $0x1;
	_ =	strace $0x80000046;
	[dreg:$0x1] =	wrdreg $0xFFFFFFFF  }
0xa8: {  	s28 =	simm.s32 $_size_execute0_lowered;
	s4 =	sadd.s32 s4, s6;
	[dreg:$0x0] =	wrdreg $0x0  }
0xa9: {  	s6 =	sshll.u32 s28, $0x1;
	[dreg:$0x2] =	wrdreg s4  }
0xaa: {  	[dreg:$0x3] =	wrdreg s6  }
0xab: {  	[dreg:$0x4] =	wrdreg $0xC0  }
0xac: {  	_ =	task [dreg:s8], $0x5FFFF  }
0xad: {  	[dreg:$0x1] =	wrdreg $0xFFFFFFFF  }
0xae: {  	[dreg:$0x0] =	wrdreg $0x60  }
0xaf: {  	[dreg:$0x2] =	wrdreg s24  }
0xb0: {  	[dreg:$0x3] =	wrdreg s2  }
0xb1: {  	[dreg:$0x4] =	wrdreg s18  }
0xb2: {  	[dreg:$0x5] =	wrdreg $0x9  }
0xb3: {  	_ =	task.clear_ibuf [dreg:s8], $0x6FFFF;
	_ =	strace $0x90000046  }
0xb4: {  	s29 =	simm.s32 $0x9;
	_ =	strace $0x80000048  }
0xb5: {  	_ =	swait.ge [sflag:s29], $0x1  }
0xb6: {  	[sflag:s29] =	ssyncadd.s32 $0xFFFFFFFF  }
0xb7: {  	_ =	strace $0x90000048  }
0xb8: {  	_ =	sfence  }
0xb9: {  	s30 =	sld [smem:$0x0];
	_ =	sdelay $0x2  }
0xba: {  	s31 =	sshll.u32 s1, $0xD;
	s1 =	sshrl.u32 s1, $0x2  }
0xbb: {  	s3 =	sand.u32 $0x4000, s31;
	s1 =	sadd.s32 s1, s30  }
0xbc: {  	s0 =	sor.u32 s3, s0;
	s1 =	sshll.u32 s1, $0x11  }
0xbd: {  	s0 =	sor.u32 s1, s0  }
0xbe: {  	s0 =	sadd.s32 $0x8F2B, s0  }
0xbf: {  	[sflag:s0] =	ssyncadd.remote.s32 $0x1  }
0xc0: {  	_ =	sfence.sel $0xFFFF  }
0xc1: {  	[dreg:$0x0] =	wrdreg $0xFFFFFFFF;
	(pc) =	sbr.abs _section_cstart, $3  }
0xc2: {  	[dreg:$0x1] =	wrdreg $0xFFFFFFFF  }
0xc3: {  	_ =	task.clear_ibuf [dreg:s8], $0x2FFFF;
	_ =	strace $0x9FFFFFFF  }
0xc4: {  	(tm) =	ssettm $0x7FFFFFFF  }
0xc5: {  	_ =	shalt  }
tec
execute0_lowered:
.L_overlay_start_1:
0x0: {  	(tag) =	ssettag $0x1  }
0x1: {  	s4 =	rddreg [dreg:$0x0]  }
0x2: {  	s2 =	rddreg [dreg:$0x1];
	s0 =	srdreg.scid  }
0x3: {  	s5 =	rddreg [dreg:$0x2];
	s1 =	stileid.u32;
	s3 =	simm.s32 $0x0  }
0x4: {  	s9 =	simm.s32 $0x100;
	s10 =	simm.s32 $0x80;
	s11 =	simm.s32 $0x300  }
0x5: {  	s12 =	simm.s32 $0x1;
	s6 =	sand.u32 $0x1, s0;
	s0 =	rddreg [dreg:$0x3]  }
0x6: {  	s13 =	simm.s32 $0x500;
	s7 =	sshll.u32 s1, $0x6;
	[smem:$0x7FF] =	sst s3  }
0x7: {  	s8 =	sshll.u32 s6, $0x5;
	s6 =	ssub.s32 $0x2, s6;
	_ =	strace $0x80000047  }
0x8: {  	s7 =	sor.u32 s8, s7;
	s31 =	sshrl.u32 s6, $0x1;
	s8 =	simm.s32 $0x4  }
0x9: {  	s4 =	sadd.s32 s7, s4;
	s6 =	ssub.s32 s6, s31;
	s5 =	sadd.s32 s5, s7  }
0xa: {  	s7 =	simm.s32 $0x2;
	s4 =	sadd.s32 $0xA00, s4;
	s6 =	smax.u32 s6, $0x1  }
.LBB2_1:
0xb: {  	[tilespmem:s3], [sflag:$0x2] =	stream.linear.gather [hbm4b:s4+s3], $0x100, $0x38;
	[tilespmem:$0x600] =	vst v63  }
0xc: {  	_ =	swait.ge [sflag:s7], $0x100  }
0xd: {  	[sflag:s7] =	ssyncset.done $0x0  }
0xe: {  	[sflag:s7] =	ssyncadd.s32 $0xFFFFFF00  }
0xf: {  	[tilespmem:s9], [sflag:$0x1] =	stream.indirect.gather [hbm4b:s2+s8], $0x80, s3, s8, $0xb8;
	[tilespmem:$0x600] =	vst v63  }
0x10: {  	_ = 	snop  }
0x11: {  	[tilespmem:s11], [sflag:$0x1] =	stream.indirect.gather [hbm4b:s2+s8], $0x80, s10, s8, $0xb8;
	[tilespmem:$0x600] =	vst v63  }
0x12: {  	_ =	swait.ge [sflag:s12], $0x200  }
0x13: {  	[sflag:s12] =	ssyncset.done $0x0  }
0x14: {  	[sflag:s12] =	ssyncadd.s32 $0xFFFFFE00  }
0x15: {  	_ =	swait.ge [sflag:s12], $0x200  }
0x16: {  	[sflag:s12] =	ssyncset.done $0x0  }
0x17: {  	[sflag:s12] =	ssyncadd.s32 $0xFFFFFE00  }
0x18: {  	v0 =	vld [tilespmem:$0x100]  }
0x19: {  	v1 =	vld [tilespmem:$0x180]  }
0x1a: {  	v2 =	vld [tilespmem:$0x200]  }
0x1b: {  	v3 =	vld [tilespmem:$0x280]  }
0x1c: {  	v4 =	vld [tilespmem:$0x110]  }
0x1d: {  	v5 =	vld [tilespmem:$0x190]  }
0x1e: {  	v6 =	vld [tilespmem:$0x210]  }
0x1f: {  	v7 =	vld [tilespmem:$0x290]  }
0x20: {  	v8 =	vld [tilespmem:$0x120]  }
0x21: {  	v9 =	vld [tilespmem:$0x1A0]  }
0x22: {  	v10 =	vld [tilespmem:$0x220]  }
0x23: {  	v11 =	vld [tilespmem:$0x2A0]  }
0x24: {  	v12 =	vld [tilespmem:$0x130]  }
0x25: {  	v13 =	vld [tilespmem:$0x1B0]  }
0x26: {  	v14 =	vld [tilespmem:$0x230]  }
0x27: {  	v15 =	vld [tilespmem:$0x2B0]  }
0x28: {  	v16 =	vld [tilespmem:$0x140]  }
0x29: {  	v17 =	vld [tilespmem:$0x1C0]  }
0x2a: {  	v18 =	vld [tilespmem:$0x240]  }
0x2b: {  	v19 =	vld [tilespmem:$0x2C0]  }
0x2c: {  	v20 =	vld [tilespmem:$0x150]  }
0x2d: {  	v21 =	vld [tilespmem:$0x1D0]  }
0x2e: {  	v22 =	vld [tilespmem:$0x250]  }
0x2f: {  	v23 =	vld [tilespmem:$0x2D0]  }
0x30: {  	v24 =	vld [tilespmem:$0x160]  }
0x31: {  	v25 =	vld [tilespmem:$0x1E0]  }
0x32: {  	v26 =	vld [tilespmem:$0x260]  }
0x33: {  	v27 =	vld [tilespmem:$0x2E0]  }
0x34: {  	v28 =	vld [tilespmem:$0x170]  }
0x35: {  	v29 =	vld [tilespmem:$0x1F0]  }
0x36: {  	v30 =	vld [tilespmem:$0x270]  }
0x37: {  	v31 =	vld [tilespmem:$0x2F0]  }
0x38: {  	v32 =	vld [tilespmem:$0x300]  }
0x39: {  	v33 =	vld [tilespmem:$0x380]  }
0x3a: {  	v34 =	vld [tilespmem:$0x400]  }
0x3b: {  	v35 =	vld [tilespmem:$0x480]  }
0x3c: {  	v36 =	vld [tilespmem:$0x310]  }
0x3d: {  	v37 =	vld [tilespmem:$0x390]  }
0x3e: {  	v38 =	vld [tilespmem:$0x410]  }
0x3f: {  	v39 =	vld [tilespmem:$0x490]  }
0x40: {  	v40 =	vld [tilespmem:$0x320]  }
0x41: {  	v41 =	vld [tilespmem:$0x3A0]  }
0x42: {  	v42 =	vld [tilespmem:$0x420]  }
0x43: {  	v43 =	vld [tilespmem:$0x4A0]  }
0x44: {  	v44 =	vld [tilespmem:$0x330]  }
0x45: {  	v50 =	vld [tilespmem:$0x350]  }
0x46: {  	v52 =	vld [tilespmem:$0x3D0];
	v0 =	vadd.f32 v1, v0;
	v58 =	vadd.f32 v3, v2  }
0x47: {  	v55 =	vld [tilespmem:$0x450];
	v59 =	vadd.f32 v5, v4;
	v60 =	vadd.f32 v7, v6  }
0x48: {  	v2 =	vld [tilespmem:$0x3B0];
	v61 =	vadd.f32 v9, v8;
	v62 =	vadd.f32 v11, v10  }
0x49: {  	v5 =	vld [tilespmem:$0x430];
	v63 =	vadd.f32 v13, v12;
	v45 =	vadd.f32 v15, v14  }
0x4a: {  	v6 =	vld [tilespmem:$0x4B0];
	v46 =	vadd.f32 v17, v16;
	v47 =	vadd.f32 v19, v18  }
0x4b: {  	v3 =	vld [tilespmem:$0x340];
	v48 =	vadd.f32 v21, v20;
	v49 =	vadd.f32 v23, v22  }
0x4c: {  	v8 =	vld [tilespmem:$0x3C0];
	v56 =	vadd.f32 v25, v24;
	v57 =	vadd.f32 v27, v26  }
0x4d: {  	v11 =	vld [tilespmem:$0x440];
	v41 =	vadd.f32 v41, v40;
	v43 =	vadd.f32 v43, v42  }
0x4e: {  	v14 =	vld [tilespmem:$0x4C0];
	v50 =	vadd.f32 v52, v50;
	v0 =	vadd.f32 v58, v0  }
0x4f: {  	v1 =	vadd.f32 v60, v59;
	v4 =	vadd.f32 v62, v61;
	v58 =	vld [tilespmem:$0x4D0]  }
0x50: {  	v51 =	vadd.f32 v45, v63;
	v53 =	vadd.f32 v47, v46;
	v61 =	vld [tilespmem:$0x360]  }
0x51: {  	v54 =	vadd.f32 v49, v48;
	v60 =	vadd.f32 v31, v30;
	v30 =	vld [tilespmem:$0x3E0];
	v0 =	vmul.f32 $2.500000000e-01, v0  }
0x52: {  	v59 =	vadd.f32 v29, v28;
	v62 =	vadd.f32 v33, v32;
	v33 =	vld [tilespmem:$0x460];
	v1 =	vmul.f32 $2.500000000e-01, v1  }
0x53: {  	v63 =	vadd.f32 v35, v34;
	v31 =	vadd.f32 v37, v36;
	v36 =	vld [tilespmem:$0x4E0];
	v4 =	vmul.f32 $2.500000000e-01, v4;
	[tilespmem:$0x500] =	vst v0  }
0x54: {  	v32 =	vadd.f32 v39, v38;
	v34 =	vadd.f32 v57, v56;
	v39 =	vld [tilespmem:$0x370];
	v7 =	vmul.f32 $2.500000000e-01, v51;
	[tilespmem:$0x510] =	vst v1  }
0x55: {  	v45 =	vld [tilespmem:$0x3F0];
	v35 =	vadd.f32 v60, v59;
	v37 =	vadd.f32 v63, v62;
	v10 =	vmul.f32 $2.500000000e-01, v53;
	[tilespmem:$0x520] =	vst v4  }
0x56: {  	v47 =	vld [tilespmem:$0x470];
	v38 =	vadd.f32 v32, v31;
	v46 =	vmul.f32 $2.500000000e-01, v54;
	v53 =	vadd.f32 v43, v41;
	[tilespmem:$0x530] =	vst v7  }
0x57: {  	v49 =	vld [tilespmem:$0x4F0];
	v2 =	vadd.f32 v2, v44;
	v5 =	vadd.f32 v6, v5;
	[tilespmem:$0x540] =	vst v10;
	v0 =	vmul.f32 $2.500000000e-01, v34  }
0x58: {  	v3 =	vadd.f32 v8, v3;
	v48 =	vadd.f32 v14, v11;
	[tilespmem:$0x550] =	vst v46;
	v52 =	vmul.f32 $2.500000000e-01, v35  }
0x59: {  	v1 =	vmul.f32 $2.500000000e-01, v37;
	v51 =	vadd.f32 v58, v55;
	v2 =	vadd.f32 v5, v2;
	[tilespmem:$0x560] =	vst v0  }
0x5a: {  	v3 =	vadd.f32 v48, v3;
	v55 =	vmul.f32 $2.500000000e-01, v38;
	v56 =	vadd.f32 v30, v61;
	[tilespmem:$0x570] =	vst v52  }
0x5b: {  	v57 =	vadd.f32 v36, v33;
	v58 =	vadd.f32 v45, v39;
	[tilespmem:$0x580] =	vst v1;
	v0 =	vmul.f32 $2.500000000e-01, v53  }
0x5c: {  	v6 =	vadd.f32 v49, v47;
	v54 =	vadd.f32 v51, v50;
	[tilespmem:$0x590] =	vst v55;
	v2 =	vmul.f32 $2.500000000e-01, v2  }
0x5d: {  	v59 =	vadd.f32 v57, v56;
	v60 =	vmul.f32 $2.500000000e-01, v3;
	[tilespmem:$0x5A0] =	vst v0  }
0x5e: {  	v61 =	vadd.f32 v6, v58;
	[tilespmem:$0x5B0] =	vst v2;
	v62 =	vmul.f32 $2.500000000e-01, v54  }
0x5f: {  	[tilespmem:$0x5C0] =	vst v60;
	v0 =	vmul.f32 $2.500000000e-01, v59  }
0x60: {  	v63 =	vmul.f32 $2.500000000e-01, v61;
	[tilespmem:$0x5D0] =	vst v62  }
0x61: {  	p0 =	sne.s32 s6, $0x1;
	[tilespmem:$0x5E0] =	vst v0  }
.Ltmp0:
0x62: {  	[tilespmem:$0x5F0] =	vst v63;
	(pc) =	sbr.rel @p0 .LBB2_1-.Ltmp0, $4  }
0x63: {  	[hbm4b:s5+s3] =	stream.linear.scatter [tilespmem:s13], [sflag:$0x2], $0x100, $0x38;
	[tilespmem:$0x600] =	vst v63  }
0x64: {  	_ =	swait.ge [sflag:s7], $0x100  }
0x65: {  	[sflag:s7] =	ssyncset.done $0x0  }
0x66: {  	s6 =	sadd.s32 $0xFFFFFFFF, s6;
	[sflag:s7] =	ssyncadd.s32 $0xFFFFFF00  }
0x67: {  	_ =	sfence.sel $0x180000  }
0x68: {  	[bflag:$0x0] =	sbarrier.arrive $0xFFFF  }
0x69: {  	p0 =	sne.s32 s1, $0x0;
	_ =	strace $0x90000047  }
0x6a: {  	s0 =	sadd.s32 @!p0 $0x100000, s0;
	[bflag:$0x2] =	sbarrier.arrive $0xFFFF  }
0x6b: {  	[sflag:s0] =	ssyncadd.tile.s32 @!p0 $0x1;
	_ =	shalt  }
.Lfunc_end2:
_tile_overlayer_lowered:
.L_overlay_start_2:
0x6c: {  	(tag) =	ssettag $0x2  }
0x6d: {  	s0 =	rddreg [dreg:$0x0];
	s2 =	stileid.u32  }
0x6e: {  	s1 =	rddreg [dreg:$0x1];
	p0 =	sne.s32 s2, $0x0  }
0x6f: {  	s3 =	rddreg [dreg:$0x2];
	[bflag:$0x3] =	sbarrier.arrive $0xFFFF;
	s2 =	simm.s32 @!p0 $0x1C02  }
0x70: {  	[timem:s3], [sflag:s2] =	dma.local @!p0 [hbm:s0], s1  }
0x71: {  	s0 =	simm.s32 @!p0 $0x2  }
0x72: {  	_ =	swait.ge @!p0 [sflag:s0], s1  }
0x73: {  	s1 =	ssub.s32 @!p0 $0x0, s1;
	[sflag:s0] =	ssyncset.done @!p0 $0x0  }
0x74: {  	[sflag:s0] =	ssyncadd.s32 @!p0 s1  }
0x75: {  	[bflag:$0x3] =	sbarrier.arrive $0xFFFF  }
0x76: {  	_ =	shalt  }

</sc_bundles>
